<compile_context>
chip_gen: v7x
topology: tpu7x:2x2x1
jax: 0.10.2.dev20260603
libtpu: 0.0.44.dev20260713+nightly
codegen_flags: <defaults>
</compile_context>

<pallas_src>
import functools

import jax
import jax.numpy as jnp
from jax import lax
from jax.experimental import pallas as pl
from jax.experimental.pallas import tpu as pltpu
from jax.experimental.pallas import tpu_sc as plsc


_ROWS, _COLS = 16384, 1024
_NW = 32
_RPW = _ROWS // _NW
_R = 8
_NCHUNK = _RPW // _R
_NBUF = 4
_NGRP = _NCHUNK // _NBUF
_L = 16
_NG = _COLS // _L


def _sc_permute(x, perm):
    mesh = plsc.VectorSubcoreMesh(core_axis_name="c", subcore_axis_name="s")

    @functools.partial(
        pl.kernel,
        mesh=mesh,
        out_type=jax.ShapeDtypeStruct((_ROWS, _COLS), jnp.float32),
        compiler_params=pltpu.CompilerParams(
            use_tc_tiling_on_sc=True,
            needs_layout_passes=False,
        ),
        scratch_types=[
            pltpu.VMEM((_COLS,), jnp.int32),
            [pltpu.VMEM((_R, _COLS), jnp.float32)] * _NBUF,
            [pltpu.VMEM((_R, _COLS), jnp.float32)] * _NBUF,
            [pltpu.SemaphoreType.DMA] * _NBUF,
            [pltpu.SemaphoreType.DMA] * _NBUF,
        ],
    )
    def run(x_hbm, perm_hbm, out_hbm, perm_v, ins, outs, sins, souts):
        wid = lax.axis_index("s") * 2 + lax.axis_index("c")
        row0 = wid * _RPW

        def in_slice(c):
            return x_hbm.at[pl.ds(pl.multiple_of(row0 + c * _R, _R), _R)]

        def out_slice(c):
            return out_hbm.at[pl.ds(pl.multiple_of(row0 + c * _R, _R), _R)]

        for b in range(_NBUF):
            pltpu.async_copy(in_slice(b), ins[b], sins[b])
        pltpu.sync_copy(perm_hbm, perm_v)

        def permute_chunk(in_v, out_v):
            @plsc.parallel_loop(0, _NG, unroll=4)
            def _(g):
                off = g * _L
                idx = perm_v[pl.ds(off, _L)]
                vals = []
                for r in range(_R):
                    row = jnp.full((_L,), r, dtype=jnp.int32)
                    vals.append(plsc.load_gather(in_v, [row, idx]))
                for r in range(_R):
                    out_v[r, pl.ds(off, _L)] = vals[r]

        def group_body(h, carry):
            for b in range(_NBUF):
                c = h * _NBUF + b
                pltpu.make_async_copy(in_slice(0), ins[b], sins[b]).wait()
                @pl.when(h > 0)
                def _():
                    pltpu.make_async_copy(outs[b], out_slice(0), souts[b]).wait()
                permute_chunk(ins[b], outs[b])
                @pl.when(h < _NGRP - 1)
                def _():
                    pltpu.async_copy(in_slice(c + _NBUF), ins[b], sins[b])
                pltpu.async_copy(outs[b], out_slice(c), souts[b])
            return carry

        lax.fori_loop(0, _NGRP, group_body, 0)
        for b in range(_NBUF):
            pltpu.make_async_copy(outs[b], out_slice(0), souts[b]).wait()

    return run(x, perm)


def kernel(x, perm, perm_inv):
    del perm_inv
    return _sc_permute(x, perm)

# --- scband reference (transcript-rebuilt; emitter-appended) ---
"""Pipeline reference for scband-parallel-permute-13692355740382 (READ-ONLY COPY).

The authoritative reference and input builder live on the scoring server;
editing this copy changes nothing except your own understanding.
"""

import jax, jax.numpy as jnp
import numpy as np


def setup_inputs(seed: int = 0) -> dict:
    key = jax.random.key(seed)
    x = jax.random.normal(key, (16384, 1024), dtype=jnp.float32)
    # Module __init__: np.random.seed(seed); perm = np.random.permutation(in_channels)
    np.random.seed(0)
    perm_np = np.random.permutation(1024)
    perm_inv_np = np.zeros_like(perm_np)
    for i, p in enumerate(perm_np):
        perm_inv_np[p] = i
    perm = jnp.asarray(perm_np, dtype=jnp.int32)
    perm_inv = jnp.asarray(perm_inv_np, dtype=jnp.int32)
    return {"x": x, "perm": perm, "perm_inv": perm_inv}


def reference(x, perm, perm_inv):
    # forward(x, rev=False): rearrange '(B H W) C -> B C H W' with H=W=1 is a no-op
    # on the channel axis; the op is x[:, perm] for each input (n_inputs=1 here),
    # then rearrange back to '(B H W) C'.
    out = jnp.take(x, perm, axis=1)
    return out

if __name__ == "__main__":
    import jax
    _d = setup_inputs()
    print(jax.jit(kernel)(*tuple(_d.values())))

</pallas_src>

<mosaic_0001>
#map = affine_map<(d0, d1) -> (0, 0)>
#map1 = affine_map<(d0, d1) -> (0)>
module attributes {stable_mosaic.version = 14 : i64} {
  func.func @run(%arg0: i32, %arg1: i32, %arg2: memref<16384x1024xf32, #tpu.memory_space<hbm>>, %arg3: memref<1024xi32, #tpu.memory_space<hbm>>, %arg4: memref<16384x1024xf32, #tpu.memory_space<hbm>>, %arg5: memref<1024xi32, #tpu.memory_space<vmem>>, %arg6: memref<8x1024xf32, #tpu.memory_space<vmem>>, %arg7: memref<8x1024xf32, #tpu.memory_space<vmem>>, %arg8: memref<8x1024xf32, #tpu.memory_space<vmem>>, %arg9: memref<8x1024xf32, #tpu.memory_space<vmem>>, %arg10: memref<8x1024xf32, #tpu.memory_space<vmem>>, %arg11: memref<8x1024xf32, #tpu.memory_space<vmem>>, %arg12: memref<8x1024xf32, #tpu.memory_space<vmem>>, %arg13: memref<8x1024xf32, #tpu.memory_space<vmem>>, %arg14: memref<!tpu.dma_semaphore, #tpu.memory_space<semaphore_mem>>, %arg15: memref<!tpu.dma_semaphore, #tpu.memory_space<semaphore_mem>>, %arg16: memref<!tpu.dma_semaphore, #tpu.memory_space<semaphore_mem>>, %arg17: memref<!tpu.dma_semaphore, #tpu.memory_space<semaphore_mem>>, %arg18: memref<!tpu.dma_semaphore, #tpu.memory_space<semaphore_mem>>, %arg19: memref<!tpu.dma_semaphore, #tpu.memory_space<semaphore_mem>>, %arg20: memref<!tpu.dma_semaphore, #tpu.memory_space<semaphore_mem>>, %arg21: memref<!tpu.dma_semaphore, #tpu.memory_space<semaphore_mem>>) attributes {dimension_semantics = [#tpu.dimension_semantics<core_parallel>, #tpu.dimension_semantics<subcore_parallel>], iteration_bounds = array<i64: 2, 16>, scalar_prefetch = 0 : i64, scratch_operands = 17 : i64, tpu.core_type = #tpu.core_type<sc_vector_subcore>, window_params = [{transform_indices = #map}, {transform_indices = #map1}, {transform_indices = #map}]} {
    %mul3A = arith.constant 2 : i32
    %mul3A_0 = arith.muli %arg1, %mul3A : i32
    %add3A = arith.addi %mul3A_0, %arg0 : i32
    %mul3A_1 = arith.constant 512 : i32
    %mul3A_2 = arith.muli %add3A, %mul3A_1 : i32
    %add3A_3 = arith.constant 0 : i32
    %add3A_4 = arith.addi %mul3A_2, %add3A_3 : i32
    %multiple_of3A = tpu.assume_multiple %add3A_4, 8 : i32
    %dma_start3A = arith.constant 0 : i32
    %dma_start3A_5 = tpu.memref_slice %arg2[%multiple_of3A, %dma_start3A] : memref<16384x1024xf32, #tpu.memory_space<hbm>> -> memref<8x1024xf32, #tpu.memory_space<hbm>>
    %dma_start3A_6 = arith.constant 0 : i32
    %dma_start3A_7 = tpu.memref_slice %arg2[%multiple_of3A, %dma_start3A_6] : memref<16384x1024xf32, #tpu.memory_space<hbm>> -> memref<8x1024xf32, #tpu.memory_space<hbm>>
    tpu.enqueue_dma source(%dma_start3A_7 : memref<8x1024xf32, #tpu.memory_space<hbm>>) target(%arg6 : memref<8x1024xf32, #tpu.memory_space<vmem>>) target_semaphore(%arg14 : memref<!tpu.dma_semaphore, #tpu.memory_space<semaphore_mem>>)
    %add3A_8 = arith.constant 8 : i32
    %add3A_9 = arith.addi %mul3A_2, %add3A_8 : i32
    %multiple_of3A_10 = tpu.assume_multiple %add3A_9, 8 : i32
    %dma_start3A_11 = arith.constant 0 : i32
    %dma_start3A_12 = tpu.memref_slice %arg2[%multiple_of3A_10, %dma_start3A_11] : memref<16384x1024xf32, #tpu.memory_space<hbm>> -> memref<8x1024xf32, #tpu.memory_space<hbm>>
    %dma_start3A_13 = arith.constant 0 : i32
    %dma_start3A_14 = tpu.memref_slice %arg2[%multiple_of3A_10, %dma_start3A_13] : memref<16384x1024xf32, #tpu.memory_space<hbm>> -> memref<8x1024xf32, #tpu.memory_space<hbm>>
    tpu.enqueue_dma source(%dma_start3A_14 : memref<8x1024xf32, #tpu.memory_space<hbm>>) target(%arg7 : memref<8x1024xf32, #tpu.memory_space<vmem>>) target_semaphore(%arg15 : memref<!tpu.dma_semaphore, #tpu.memory_space<semaphore_mem>>)
    %add3A_15 = arith.constant 16 : i32
    %add3A_16 = arith.addi %mul3A_2, %add3A_15 : i32
    %multiple_of3A_17 = tpu.assume_multiple %add3A_16, 8 : i32
    %dma_start3A_18 = arith.constant 0 : i32
    %dma_start3A_19 = tpu.memref_slice %arg2[%multiple_of3A_17, %dma_start3A_18] : memref<16384x1024xf32, #tpu.memory_space<hbm>> -> memref<8x1024xf32, #tpu.memory_space<hbm>>
    %dma_start3A_20 = arith.constant 0 : i32
    %dma_start3A_21 = tpu.memref_slice %arg2[%multiple_of3A_17, %dma_start3A_20] : memref<16384x1024xf32, #tpu.memory_space<hbm>> -> memref<8x1024xf32, #tpu.memory_space<hbm>>
    tpu.enqueue_dma source(%dma_start3A_21 : memref<8x1024xf32, #tpu.memory_space<hbm>>) target(%arg8 : memref<8x1024xf32, #tpu.memory_space<vmem>>) target_semaphore(%arg16 : memref<!tpu.dma_semaphore, #tpu.memory_space<semaphore_mem>>)
    %add3A_22 = arith.constant 24 : i32
    %add3A_23 = arith.addi %mul3A_2, %add3A_22 : i32
    %multiple_of3A_24 = tpu.assume_multiple %add3A_23, 8 : i32
    %dma_start3A_25 = arith.constant 0 : i32
    %dma_start3A_26 = tpu.memref_slice %arg2[%multiple_of3A_24, %dma_start3A_25] : memref<16384x1024xf32, #tpu.memory_space<hbm>> -> memref<8x1024xf32, #tpu.memory_space<hbm>>
    %dma_start3A_27 = arith.constant 0 : i32
    %dma_start3A_28 = tpu.memref_slice %arg2[%multiple_of3A_24, %dma_start3A_27] : memref<16384x1024xf32, #tpu.memory_space<hbm>> -> memref<8x1024xf32, #tpu.memory_space<hbm>>
    tpu.enqueue_dma source(%dma_start3A_28 : memref<8x1024xf32, #tpu.memory_space<hbm>>) target(%arg9 : memref<8x1024xf32, #tpu.memory_space<vmem>>) target_semaphore(%arg17 : memref<!tpu.dma_semaphore, #tpu.memory_space<semaphore_mem>>)
    "tpu.region"() ({
      %run_scoped3A = tpu.sem_alloc : memref<!tpu.dma_semaphore, #tpu.memory_space<semaphore_mem>>
      tpu.enqueue_dma source(%arg3 : memref<1024xi32, #tpu.memory_space<hbm>>) target(%arg5 : memref<1024xi32, #tpu.memory_space<vmem>>) target_semaphore(%run_scoped3A : memref<!tpu.dma_semaphore, #tpu.memory_space<semaphore_mem>>)
      tpu.wait_dma2 semaphore(%run_scoped3A : memref<!tpu.dma_semaphore, #tpu.memory_space<semaphore_mem>>) src(%arg3 : memref<1024xi32, #tpu.memory_space<hbm>>) dst(%arg5 : memref<1024xi32, #tpu.memory_space<vmem>>)
      tpu.yield
    }) : () -> ()
    %scan3A = arith.constant 0 : i32
    %scan3A_29 = arith.constant 0 : i32
    %scan3A_30 = arith.constant 16 : i32
    %scan3A_31 = arith.addi %scan3A_29, %scan3A_30 : i32
    %scan3A_32 = arith.constant 1 : i32
    scf.for %scan3A_61 = %scan3A_29 to %scan3A_31 step %scan3A_32  : i32 {
      %mul3A_62 = arith.constant 4 : i32
      %mul3A_63 = arith.muli %scan3A_61, %mul3A_62 : i32
      %add3A_64 = arith.constant 0 : i32
      %add3A_65 = arith.addi %mul3A_63, %add3A_64 : i32
      %add3A_66 = arith.constant 0 : i32
      %add3A_67 = arith.addi %mul3A_2, %add3A_66 : i32
      %multiple_of3A_68 = tpu.assume_multiple %add3A_67, 8 : i32
      %dma_wait3A_69 = arith.constant 0 : i32
      %dma_wait3A_70 = tpu.memref_slice %arg2[%multiple_of3A_68, %dma_wait3A_69] : memref<16384x1024xf32, #tpu.memory_space<hbm>> -> memref<8x1024xf32, #tpu.memory_space<hbm>>
      %dma_wait3A_71 = arith.constant 0 : i32
      %dma_wait3A_72 = tpu.memref_slice %arg2[%multiple_of3A_68, %dma_wait3A_71] : memref<16384x1024xf32, #tpu.memory_space<hbm>> -> memref<8x1024xf32, #tpu.memory_space<hbm>>
      tpu.wait_dma2 semaphore(%arg14 : memref<!tpu.dma_semaphore, #tpu.memory_space<semaphore_mem>>) src(%dma_wait3A_72 : memref<8x1024xf32, #tpu.memory_space<hbm>>) dst(%arg6 : memref<8x1024xf32, #tpu.memory_space<vmem>>)
      %gt3A = arith.constant 0 : i32
      %gt3A_73 = arith.cmpi sgt, %scan3A_61, %gt3A : i32
      %convert_element_type3A = arith.extui %gt3A_73 : i1 to i32
      %cond3A = arith.constant 0 : i32
      %cond3A_74 = arith.cmpi ne, %convert_element_type3A, %cond3A : i32
      scf.if %cond3A_74 {
        %add3A_185 = arith.constant 0 : i32
        %add3A_186 = arith.addi %mul3A_2, %add3A_185 : i32
        %multiple_of3A_187 = tpu.assume_multiple %add3A_186, 8 : i32
        %dma_wait3A_188 = arith.constant 0 : i32
        %dma_wait3A_189 = tpu.memref_slice %arg4[%multiple_of3A_187, %dma_wait3A_188] : memref<16384x1024xf32, #tpu.memory_space<hbm>> -> memref<8x1024xf32, #tpu.memory_space<hbm>>
        %dma_wait3A_190 = arith.constant 0 : i32
        %dma_wait3A_191 = tpu.memref_slice %arg4[%multiple_of3A_187, %dma_wait3A_190] : memref<16384x1024xf32, #tpu.memory_space<hbm>> -> memref<8x1024xf32, #tpu.memory_space<hbm>>
        tpu.wait_dma2 semaphore(%arg18 : memref<!tpu.dma_semaphore, #tpu.memory_space<semaphore_mem>>) src(%arg10 : memref<8x1024xf32, #tpu.memory_space<vmem>>) dst(%dma_wait3A_191 : memref<8x1024xf32, #tpu.memory_space<hbm>>)
      } else {
      }
      %parallel_loop3A = arith.constant 0 : i32
      %parallel_loop3A_75 = arith.constant 64 : i32
      %parallel_loop3A_76 = arith.constant 1 : i32
      scf.for %parallel_loop3A_185 = %parallel_loop3A to %parallel_loop3A_75 step %parallel_loop3A_76  : i32 {
        %parallel_loop3A_186 = arith.constant 16 : i32
        %parallel_loop3A_187 = arith.muli %parallel_loop3A_185, %parallel_loop3A_186 : i32
        %parallel_loop3A_188 = arith.index_cast %parallel_loop3A_187 : i32 to index
        %parallel_loop3A_189 = tpu.vector_load %arg5[%parallel_loop3A_188] {strides = array<i32>} : memref<1024xi32, #tpu.memory_space<vmem>>, vector<16xi32>,
        %parallel_loop3A_190 = arith.constant 0 : i32
        %parallel_loop3A_191 = vector.broadcast %parallel_loop3A_190 : i32 to vector<16xi32>
        %parallel_loop3A_192 = tpu.vector_load_idx %arg6[%parallel_loop3A_191, %parallel_loop3A_189] : memref<8x1024xf32, #tpu.memory_space<vmem>>[vector<16xi32>, vector<16xi32>], vector<16xf32>,
        %parallel_loop3A_193 = arith.constant 1 : i32
        %parallel_loop3A_194 = vector.broadcast %parallel_loop3A_193 : i32 to vector<16xi32>
        %parallel_loop3A_195 = tpu.vector_load_idx %arg6[%parallel_loop3A_194, %parallel_loop3A_189] : memref<8x1024xf32, #tpu.memory_space<vmem>>[vector<16xi32>, vector<16xi32>], vector<16xf32>,
        %parallel_loop3A_196 = arith.constant 2 : i32
        %parallel_loop3A_197 = vector.broadcast %parallel_loop3A_196 : i32 to vector<16xi32>
        %parallel_loop3A_198 = tpu.vector_load_idx %arg6[%parallel_loop3A_197, %parallel_loop3A_189] : memref<8x1024xf32, #tpu.memory_space<vmem>>[vector<16xi32>, vector<16xi32>], vector<16xf32>,
        %parallel_loop3A_199 = arith.constant 3 : i32
        %parallel_loop3A_200 = vector.broadcast %parallel_loop3A_199 : i32 to vector<16xi32>
        %parallel_loop3A_201 = tpu.vector_load_idx %arg6[%parallel_loop3A_200, %parallel_loop3A_189] : memref<8x1024xf32, #tpu.memory_space<vmem>>[vector<16xi32>, vector<16xi32>], vector<16xf32>,
        %parallel_loop3A_202 = arith.constant 4 : i32
        %parallel_loop3A_203 = vector.broadcast %parallel_loop3A_202 : i32 to vector<16xi32>
        %parallel_loop3A_204 = tpu.vector_load_idx %arg6[%parallel_loop3A_203, %parallel_loop3A_189] : memref<8x1024xf32, #tpu.memory_space<vmem>>[vector<16xi32>, vector<16xi32>], vector<16xf32>,
        %parallel_loop3A_205 = arith.constant 5 : i32
        %parallel_loop3A_206 = vector.broadcast %parallel_loop3A_205 : i32 to vector<16xi32>
        %parallel_loop3A_207 = tpu.vector_load_idx %arg6[%parallel_loop3A_206, %parallel_loop3A_189] : memref<8x1024xf32, #tpu.memory_space<vmem>>[vector<16xi32>, vector<16xi32>], vector<16xf32>,
        %parallel_loop3A_208 = arith.constant 6 : i32
        %parallel_loop3A_209 = vector.broadcast %parallel_loop3A_208 : i32 to vector<16xi32>
        %parallel_loop3A_210 = tpu.vector_load_idx %arg6[%parallel_loop3A_209, %parallel_loop3A_189] : memref<8x1024xf32, #tpu.memory_space<vmem>>[vector<16xi32>, vector<16xi32>], vector<16xf32>,
        %parallel_loop3A_211 = arith.constant 7 : i32
        %parallel_loop3A_212 = vector.broadcast %parallel_loop3A_211 : i32 to vector<16xi32>
        %parallel_loop3A_213 = tpu.vector_load_idx %arg6[%parallel_loop3A_212, %parallel_loop3A_189] : memref<8x1024xf32, #tpu.memory_space<vmem>>[vector<16xi32>, vector<16xi32>], vector<16xf32>,
        %parallel_loop3A_214 = arith.constant 0 : i32
        %parallel_loop3A_215 = arith.index_cast %parallel_loop3A_214 : i32 to index
        %parallel_loop3A_216 = arith.index_cast %parallel_loop3A_187 : i32 to index
        %parallel_loop3A_217 = tpu.vector_load %arg10[%parallel_loop3A_215, %parallel_loop3A_216] {strides = array<i32>} : memref<8x1024xf32, #tpu.memory_space<vmem>>, vector<16xf32>,
        tpu.vector_store %arg10[%parallel_loop3A_215, %parallel_loop3A_216], %parallel_loop3A_192 {strides = array<i32>} : memref<8x1024xf32, #tpu.memory_space<vmem>>, vector<16xf32>,
        %parallel_loop3A_218 = arith.constant 1 : i32
        %parallel_loop3A_219 = arith.index_cast %parallel_loop3A_218 : i32 to index
        %parallel_loop3A_220 = arith.index_cast %parallel_loop3A_187 : i32 to index
        %parallel_loop3A_221 = tpu.vector_load %arg10[%parallel_loop3A_219, %parallel_loop3A_220] {strides = array<i32>} : memref<8x1024xf32, #tpu.memory_space<vmem>>, vector<16xf32>,
        tpu.vector_store %arg10[%parallel_loop3A_219, %parallel_loop3A_220], %parallel_loop3A_195 {strides = array<i32>} : memref<8x1024xf32, #tpu.memory_space<vmem>>, vector<16xf32>,
        %parallel_loop3A_222 = arith.constant 2 : i32
        %parallel_loop3A_223 = arith.index_cast %parallel_loop3A_222 : i32 to index
        %parallel_loop3A_224 = arith.index_cast %parallel_loop3A_187 : i32 to index
        %parallel_loop3A_225 = tpu.vector_load %arg10[%parallel_loop3A_223, %parallel_loop3A_224] {strides = array<i32>} : memref<8x1024xf32, #tpu.memory_space<vmem>>, vector<16xf32>,
        tpu.vector_store %arg10[%parallel_loop3A_223, %parallel_loop3A_224], %parallel_loop3A_198 {strides = array<i32>} : memref<8x1024xf32, #tpu.memory_space<vmem>>, vector<16xf32>,
        %parallel_loop3A_226 = arith.constant 3 : i32
        %parallel_loop3A_227 = arith.index_cast %parallel_loop3A_226 : i32 to index
        %parallel_loop3A_228 = arith.index_cast %parallel_loop3A_187 : i32 to index
        %parallel_loop3A_229 = tpu.vector_load %arg10[%parallel_loop3A_227, %parallel_loop3A_228] {strides = array<i32>} : memref<8x1024xf32, #tpu.memory_space<vmem>>, vector<16xf32>,
        tpu.vector_store %arg10[%parallel_loop3A_227, %parallel_loop3A_228], %parallel_loop3A_201 {strides = array<i32>} : memref<8x1024xf32, #tpu.memory_space<vmem>>, vector<16xf32>,
        %parallel_loop3A_230 = arith.constant 4 : i32
        %parallel_loop3A_231 = arith.index_cast %parallel_loop3A_230 : i32 to index
        %parallel_loop3A_232 = arith.index_cast %parallel_loop3A_187 : i32 to index
        %parallel_loop3A_233 = tpu.vector_load %arg10[%parallel_loop3A_231, %parallel_loop3A_232] {strides = array<i32>} : memref<8x1024xf32, #tpu.memory_space<vmem>>, vector<16xf32>,
        tpu.vector_store %arg10[%parallel_loop3A_231, %parallel_loop3A_232], %parallel_loop3A_204 {strides = array<i32>} : memref<8x1024xf32, #tpu.memory_space<vmem>>, vector<16xf32>,
        %parallel_loop3A_234 = arith.constant 5 : i32
        %parallel_loop3A_235 = arith.index_cast %parallel_loop3A_234 : i32 to index
        %parallel_loop3A_236 = arith.index_cast %parallel_loop3A_187 : i32 to index
        %parallel_loop3A_237 = tpu.vector_load %arg10[%parallel_loop3A_235, %parallel_loop3A_236] {strides = array<i32>} : memref<8x1024xf32, #tpu.memory_space<vmem>>, vector<16xf32>,
        tpu.vector_store %arg10[%parallel_loop3A_235, %parallel_loop3A_236], %parallel_loop3A_207 {strides = array<i32>} : memref<8x1024xf32, #tpu.memory_space<vmem>>, vector<16xf32>,
        %parallel_loop3A_238 = arith.constant 6 : i32
        %parallel_loop3A_239 = arith.index_cast %parallel_loop3A_238 : i32 to index
        %parallel_loop3A_240 = arith.index_cast %parallel_loop3A_187 : i32 to index
        %parallel_loop3A_241 = tpu.vector_load %arg10[%parallel_loop3A_239, %parallel_loop3A_240] {strides = array<i32>} : memref<8x1024xf32, #tpu.memory_space<vmem>>, vector<16xf32>,
        tpu.vector_store %arg10[%parallel_loop3A_239, %parallel_loop3A_240], %parallel_loop3A_210 {strides = array<i32>} : memref<8x1024xf32, #tpu.memory_space<vmem>>, vector<16xf32>,
        %parallel_loop3A_242 = arith.constant 7 : i32
        %parallel_loop3A_243 = arith.index_cast %parallel_loop3A_242 : i32 to index
        %parallel_loop3A_244 = arith.index_cast %parallel_loop3A_187 : i32 to index
        %parallel_loop3A_245 = tpu.vector_load %arg10[%parallel_loop3A_243, %parallel_loop3A_244] {strides = array<i32>} : memref<8x1024xf32, #tpu.memory_space<vmem>>, vector<16xf32>,
        tpu.vector_store %arg10[%parallel_loop3A_243, %parallel_loop3A_244], %parallel_loop3A_213 {strides = array<i32>} : memref<8x1024xf32, #tpu.memory_space<vmem>>, vector<16xf32>,
      } {sc.loop_unroll_factor = 4 : i64, sc.parallel_access}
      %lt3A = arith.constant 15 : i32
      %lt3A_77 = arith.cmpi slt, %scan3A_61, %lt3A : i32
      %convert_element_type3A_78 = arith.extui %lt3A_77 : i1 to i32
      %cond3A_79 = arith.constant 0 : i32
      %cond3A_80 = arith.cmpi ne, %convert_element_type3A_78, %cond3A_79 : i32
      scf.if %cond3A_80 {
        %add3A_185 = arith.constant 4 : i32
        %add3A_186 = arith.addi %add3A_65, %add3A_185 : i32
        %mul3A_187 = arith.constant 8 : i32
        %mul3A_188 = arith.muli %add3A_186, %mul3A_187 : i32
        %add3A_189 = arith.addi %mul3A_2, %mul3A_188 : i32
        %multiple_of3A_190 = tpu.assume_multiple %add3A_189, 8 : i32
        %dma_start3A_191 = arith.constant 0 : i32
        %dma_start3A_192 = tpu.memref_slice %arg2[%multiple_of3A_190, %dma_start3A_191] : memref<16384x1024xf32, #tpu.memory_space<hbm>> -> memref<8x1024xf32, #tpu.memory_space<hbm>>
        %dma_start3A_193 = arith.constant 0 : i32
        %dma_start3A_194 = tpu.memref_slice %arg2[%multiple_of3A_190, %dma_start3A_193] : memref<16384x1024xf32, #tpu.memory_space<hbm>> -> memref<8x1024xf32, #tpu.memory_space<hbm>>
        tpu.enqueue_dma source(%dma_start3A_194 : memref<8x1024xf32, #tpu.memory_space<hbm>>) target(%arg6 : memref<8x1024xf32, #tpu.memory_space<vmem>>) target_semaphore(%arg14 : memref<!tpu.dma_semaphore, #tpu.memory_space<semaphore_mem>>)
      } else {
      }
      %mul3A_81 = arith.constant 8 : i32
      %mul3A_82 = arith.muli %add3A_65, %mul3A_81 : i32
      %add3A_83 = arith.addi %mul3A_2, %mul3A_82 : i32
      %multiple_of3A_84 = tpu.assume_multiple %add3A_83, 8 : i32
      %dma_start3A_85 = arith.constant 0 : i32
      %dma_start3A_86 = tpu.memref_slice %arg4[%multiple_of3A_84, %dma_start3A_85] : memref<16384x1024xf32, #tpu.memory_space<hbm>> -> memref<8x1024xf32, #tpu.memory_space<hbm>>
      %dma_start3A_87 = arith.constant 0 : i32
      %dma_start3A_88 = tpu.memref_slice %arg4[%multiple_of3A_84, %dma_start3A_87] : memref<16384x1024xf32, #tpu.memory_space<hbm>> -> memref<8x1024xf32, #tpu.memory_space<hbm>>
      tpu.enqueue_dma source(%arg10 : memref<8x1024xf32, #tpu.memory_space<vmem>>) target(%dma_start3A_88 : memref<8x1024xf32, #tpu.memory_space<hbm>>) target_semaphore(%arg18 : memref<!tpu.dma_semaphore, #tpu.memory_space<semaphore_mem>>)
      %mul3A_89 = arith.constant 4 : i32
      %mul3A_90 = arith.muli %scan3A_61, %mul3A_89 : i32
      %add3A_91 = arith.constant 1 : i32
      %add3A_92 = arith.addi %mul3A_90, %add3A_91 : i32
      %add3A_93 = arith.constant 0 : i32
      %add3A_94 = arith.addi %mul3A_2, %add3A_93 : i32
      %multiple_of3A_95 = tpu.assume_multiple %add3A_94, 8 : i32
      %dma_wait3A_96 = arith.constant 0 : i32
      %dma_wait3A_97 = tpu.memref_slice %arg2[%multiple_of3A_95, %dma_wait3A_96] : memref<16384x1024xf32, #tpu.memory_space<hbm>> -> memref<8x1024xf32, #tpu.memory_space<hbm>>
      %dma_wait3A_98 = arith.constant 0 : i32
      %dma_wait3A_99 = tpu.memref_slice %arg2[%multiple_of3A_95, %dma_wait3A_98] : memref<16384x1024xf32, #tpu.memory_space<hbm>> -> memref<8x1024xf32, #tpu.memory_space<hbm>>
      tpu.wait_dma2 semaphore(%arg15 : memref<!tpu.dma_semaphore, #tpu.memory_space<semaphore_mem>>) src(%dma_wait3A_99 : memref<8x1024xf32, #tpu.memory_space<hbm>>) dst(%arg7 : memref<8x1024xf32, #tpu.memory_space<vmem>>)
      %gt3A_100 = arith.constant 0 : i32
      %gt3A_101 = arith.cmpi sgt, %scan3A_61, %gt3A_100 : i32
      %convert_element_type3A_102 = arith.extui %gt3A_101 : i1 to i32
      %cond3A_103 = arith.constant 0 : i32
      %cond3A_104 = arith.cmpi ne, %convert_element_type3A_102, %cond3A_103 : i32
      scf.if %cond3A_104 {
        %add3A_185 = arith.constant 0 : i32
        %add3A_186 = arith.addi %mul3A_2, %add3A_185 : i32
        %multiple_of3A_187 = tpu.assume_multiple %add3A_186, 8 : i32
        %dma_wait3A_188 = arith.constant 0 : i32
        %dma_wait3A_189 = tpu.memref_slice %arg4[%multiple_of3A_187, %dma_wait3A_188] : memref<16384x1024xf32, #tpu.memory_space<hbm>> -> memref<8x1024xf32, #tpu.memory_space<hbm>>
        %dma_wait3A_190 = arith.constant 0 : i32
        %dma_wait3A_191 = tpu.memref_slice %arg4[%multiple_of3A_187, %dma_wait3A_190] : memref<16384x1024xf32, #tpu.memory_space<hbm>> -> memref<8x1024xf32, #tpu.memory_space<hbm>>
        tpu.wait_dma2 semaphore(%arg19 : memref<!tpu.dma_semaphore, #tpu.memory_space<semaphore_mem>>) src(%arg11 : memref<8x1024xf32, #tpu.memory_space<vmem>>) dst(%dma_wait3A_191 : memref<8x1024xf32, #tpu.memory_space<hbm>>)
      } else {
      }
      %parallel_loop3A_105 = arith.constant 0 : i32
      %parallel_loop3A_106 = arith.constant 64 : i32
      %parallel_loop3A_107 = arith.constant 1 : i32
      scf.for %parallel_loop3A_185 = %parallel_loop3A_105 to %parallel_loop3A_106 step %parallel_loop3A_107  : i32 {
        %parallel_loop3A_186 = arith.constant 16 : i32
        %parallel_loop3A_187 = arith.muli %parallel_loop3A_185, %parallel_loop3A_186 : i32
        %parallel_loop3A_188 = arith.index_cast %parallel_loop3A_187 : i32 to index
        %parallel_loop3A_189 = tpu.vector_load %arg5[%parallel_loop3A_188] {strides = array<i32>} : memref<1024xi32, #tpu.memory_space<vmem>>, vector<16xi32>,
        %parallel_loop3A_190 = arith.constant 0 : i32
        %parallel_loop3A_191 = vector.broadcast %parallel_loop3A_190 : i32 to vector<16xi32>
        %parallel_loop3A_192 = tpu.vector_load_idx %arg7[%parallel_loop3A_191, %parallel_loop3A_189] : memref<8x1024xf32, #tpu.memory_space<vmem>>[vector<16xi32>, vector<16xi32>], vector<16xf32>,
        %parallel_loop3A_193 = arith.constant 1 : i32
        %parallel_loop3A_194 = vector.broadcast %parallel_loop3A_193 : i32 to vector<16xi32>
        %parallel_loop3A_195 = tpu.vector_load_idx %arg7[%parallel_loop3A_194, %parallel_loop3A_189] : memref<8x1024xf32, #tpu.memory_space<vmem>>[vector<16xi32>, vector<16xi32>], vector<16xf32>,
        %parallel_loop3A_196 = arith.constant 2 : i32
        %parallel_loop3A_197 = vector.broadcast %parallel_loop3A_196 : i32 to vector<16xi32>
        %parallel_loop3A_198 = tpu.vector_load_idx %arg7[%parallel_loop3A_197, %parallel_loop3A_189] : memref<8x1024xf32, #tpu.memory_space<vmem>>[vector<16xi32>, vector<16xi32>], vector<16xf32>,
        %parallel_loop3A_199 = arith.constant 3 : i32
        %parallel_loop3A_200 = vector.broadcast %parallel_loop3A_199 : i32 to vector<16xi32>
        %parallel_loop3A_201 = tpu.vector_load_idx %arg7[%parallel_loop3A_200, %parallel_loop3A_189] : memref<8x1024xf32, #tpu.memory_space<vmem>>[vector<16xi32>, vector<16xi32>], vector<16xf32>,
        %parallel_loop3A_202 = arith.constant 4 : i32
        %parallel_loop3A_203 = vector.broadcast %parallel_loop3A_202 : i32 to vector<16xi32>
        %parallel_loop3A_204 = tpu.vector_load_idx %arg7[%parallel_loop3A_203, %parallel_loop3A_189] : memref<8x1024xf32, #tpu.memory_space<vmem>>[vector<16xi32>, vector<16xi32>], vector<16xf32>,
        %parallel_loop3A_205 = arith.constant 5 : i32
        %parallel_loop3A_206 = vector.broadcast %parallel_loop3A_205 : i32 to vector<16xi32>
        %parallel_loop3A_207 = tpu.vector_load_idx %arg7[%parallel_loop3A_206, %parallel_loop3A_189] : memref<8x1024xf32, #tpu.memory_space<vmem>>[vector<16xi32>, vector<16xi32>], vector<16xf32>,
        %parallel_loop3A_208 = arith.constant 6 : i32
        %parallel_loop3A_209 = vector.broadcast %parallel_loop3A_208 : i32 to vector<16xi32>
        %parallel_loop3A_210 = tpu.vector_load_idx %arg7[%parallel_loop3A_209, %parallel_loop3A_189] : memref<8x1024xf32, #tpu.memory_space<vmem>>[vector<16xi32>, vector<16xi32>], vector<16xf32>,
        %parallel_loop3A_211 = arith.constant 7 : i32
        %parallel_loop3A_212 = vector.broadcast %parallel_loop3A_211 : i32 to vector<16xi32>
        %parallel_loop3A_213 = tpu.vector_load_idx %arg7[%parallel_loop3A_212, %parallel_loop3A_189] : memref<8x1024xf32, #tpu.memory_space<vmem>>[vector<16xi32>, vector<16xi32>], vector<16xf32>,
        %parallel_loop3A_214 = arith.constant 0 : i32
        %parallel_loop3A_215 = arith.index_cast %parallel_loop3A_214 : i32 to index
        %parallel_loop3A_216 = arith.index_cast %parallel_loop3A_187 : i32 to index
        %parallel_loop3A_217 = tpu.vector_load %arg11[%parallel_loop3A_215, %parallel_loop3A_216] {strides = array<i32>} : memref<8x1024xf32, #tpu.memory_space<vmem>>, vector<16xf32>,
        tpu.vector_store %arg11[%parallel_loop3A_215, %parallel_loop3A_216], %parallel_loop3A_192 {strides = array<i32>} : memref<8x1024xf32, #tpu.memory_space<vmem>>, vector<16xf32>,
        %parallel_loop3A_218 = arith.constant 1 : i32
        %parallel_loop3A_219 = arith.index_cast %parallel_loop3A_218 : i32 to index
        %parallel_loop3A_220 = arith.index_cast %parallel_loop3A_187 : i32 to index
        %parallel_loop3A_221 = tpu.vector_load %arg11[%parallel_loop3A_219, %parallel_loop3A_220] {strides = array<i32>} : memref<8x1024xf32, #tpu.memory_space<vmem>>, vector<16xf32>,
        tpu.vector_store %arg11[%parallel_loop3A_219, %parallel_loop3A_220], %parallel_loop3A_195 {strides = array<i32>} : memref<8x1024xf32, #tpu.memory_space<vmem>>, vector<16xf32>,
        %parallel_loop3A_222 = arith.constant 2 : i32
        %parallel_loop3A_223 = arith.index_cast %parallel_loop3A_222 : i32 to index
        %parallel_loop3A_224 = arith.index_cast %parallel_loop3A_187 : i32 to index
        %parallel_loop3A_225 = tpu.vector_load %arg11[%parallel_loop3A_223, %parallel_loop3A_224] {strides = array<i32>} : memref<8x1024xf32, #tpu.memory_space<vmem>>, vector<16xf32>,
        tpu.vector_store %arg11[%parallel_loop3A_223, %parallel_loop3A_224], %parallel_loop3A_198 {strides = array<i32>} : memref<8x1024xf32, #tpu.memory_space<vmem>>, vector<16xf32>,
        %parallel_loop3A_226 = arith.constant 3 : i32
        %parallel_loop3A_227 = arith.index_cast %parallel_loop3A_226 : i32 to index
        %parallel_loop3A_228 = arith.index_cast %parallel_loop3A_187 : i32 to index
        %parallel_loop3A_229 = tpu.vector_load %arg11[%parallel_loop3A_227, %parallel_loop3A_228] {strides = array<i32>} : memref<8x1024xf32, #tpu.memory_space<vmem>>, vector<16xf32>,
        tpu.vector_store %arg11[%parallel_loop3A_227, %parallel_loop3A_228], %parallel_loop3A_201 {strides = array<i32>} : memref<8x1024xf32, #tpu.memory_space<vmem>>, vector<16xf32>,
        %parallel_loop3A_230 = arith.constant 4 : i32
        %parallel_loop3A_231 = arith.index_cast %parallel_loop3A_230 : i32 to index
        %parallel_loop3A_232 = arith.index_cast %parallel_loop3A_187 : i32 to index
        %parallel_loop3A_233 = tpu.vector_load %arg11[%parallel_loop3A_231, %parallel_loop3A_232] {strides = array<i32>} : memref<8x1024xf32, #tpu.memory_space<vmem>>, vector<16xf32>,
        tpu.vector_store %arg11[%parallel_loop3A_231, %parallel_loop3A_232], %parallel_loop3A_204 {strides = array<i32>} : memref<8x1024xf32, #tpu.memory_space<vmem>>, vector<16xf32>,
        %parallel_loop3A_234 = arith.constant 5 : i32
        %parallel_loop3A_235 = arith.index_cast %parallel_loop3A_234 : i32 to index
        %parallel_loop3A_236 = arith.index_cast %parallel_loop3A_187 : i32 to index
        %parallel_loop3A_237 = tpu.vector_load %arg11[%parallel_loop3A_235, %parallel_loop3A_236] {strides = array<i32>} : memref<8x1024xf32, #tpu.memory_space<vmem>>, vector<16xf32>,
        tpu.vector_store %arg11[%parallel_loop3A_235, %parallel_loop3A_236], %parallel_loop3A_207 {strides = array<i32>} : memref<8x1024xf32, #tpu.memory_space<vmem>>, vector<16xf32>,
        %parallel_loop3A_238 = arith.constant 6 : i32
        %parallel_loop3A_239 = arith.index_cast %parallel_loop3A_238 : i32 to index
        %parallel_loop3A_240 = arith.index_cast %parallel_loop3A_187 : i32 to index
        %parallel_loop3A_241 = tpu.vector_load %arg11[%parallel_loop3A_239, %parallel_loop3A_240] {strides = array<i32>} : memref<8x1024xf32, #tpu.memory_space<vmem>>, vector<16xf32>,
        tpu.vector_store %arg11[%parallel_loop3A_239, %parallel_loop3A_240], %parallel_loop3A_210 {strides = array<i32>} : memref<8x1024xf32, #tpu.memory_space<vmem>>, vector<16xf32>,
        %parallel_loop3A_242 = arith.constant 7 : i32
        %parallel_loop3A_243 = arith.index_cast %parallel_loop3A_242 : i32 to index
        %parallel_loop3A_244 = arith.index_cast %parallel_loop3A_187 : i32 to index
        %parallel_loop3A_245 = tpu.vector_load %arg11[%parallel_loop3A_243, %parallel_loop3A_244] {strides = array<i32>} : memref<8x1024xf32, #tpu.memory_space<vmem>>, vector<16xf32>,
        tpu.vector_store %arg11[%parallel_loop3A_243, %parallel_loop3A_244], %parallel_loop3A_213 {strides = array<i32>} : memref<8x1024xf32, #tpu.memory_space<vmem>>, vector<16xf32>,
      } {sc.loop_unroll_factor = 4 : i64, sc.parallel_access}
      %lt3A_108 = arith.constant 15 : i32
      %lt3A_109 = arith.cmpi slt, %scan3A_61, %lt3A_108 : i32
      %convert_element_type3A_110 = arith.extui %lt3A_109 : i1 to i32
      %cond3A_111 = arith.constant 0 : i32
      %cond3A_112 = arith.cmpi ne, %convert_element_type3A_110, %cond3A_111 : i32
      scf.if %cond3A_112 {
        %add3A_185 = arith.constant 4 : i32
        %add3A_186 = arith.addi %add3A_92, %add3A_185 : i32
        %mul3A_187 = arith.constant 8 : i32
        %mul3A_188 = arith.muli %add3A_186, %mul3A_187 : i32
        %add3A_189 = arith.addi %mul3A_2, %mul3A_188 : i32
        %multiple_of3A_190 = tpu.assume_multiple %add3A_189, 8 : i32
        %dma_start3A_191 = arith.constant 0 : i32
        %dma_start3A_192 = tpu.memref_slice %arg2[%multiple_of3A_190, %dma_start3A_191] : memref<16384x1024xf32, #tpu.memory_space<hbm>> -> memref<8x1024xf32, #tpu.memory_space<hbm>>
        %dma_start3A_193 = arith.constant 0 : i32
        %dma_start3A_194 = tpu.memref_slice %arg2[%multiple_of3A_190, %dma_start3A_193] : memref<16384x1024xf32, #tpu.memory_space<hbm>> -> memref<8x1024xf32, #tpu.memory_space<hbm>>
        tpu.enqueue_dma source(%dma_start3A_194 : memref<8x1024xf32, #tpu.memory_space<hbm>>) target(%arg7 : memref<8x1024xf32, #tpu.memory_space<vmem>>) target_semaphore(%arg15 : memref<!tpu.dma_semaphore, #tpu.memory_space<semaphore_mem>>)
      } else {
      }
      %mul3A_113 = arith.constant 8 : i32
      %mul3A_114 = arith.muli %add3A_92, %mul3A_113 : i32
      %add3A_115 = arith.addi %mul3A_2, %mul3A_114 : i32
      %multiple_of3A_116 = tpu.assume_multiple %add3A_115, 8 : i32
      %dma_start3A_117 = arith.constant 0 : i32
      %dma_start3A_118 = tpu.memref_slice %arg4[%multiple_of3A_116, %dma_start3A_117] : memref<16384x1024xf32, #tpu.memory_space<hbm>> -> memref<8x1024xf32, #tpu.memory_space<hbm>>
      %dma_start3A_119 = arith.constant 0 : i32
      %dma_start3A_120 = tpu.memref_slice %arg4[%multiple_of3A_116, %dma_start3A_119] : memref<16384x1024xf32, #tpu.memory_space<hbm>> -> memref<8x1024xf32, #tpu.memory_space<hbm>>
      tpu.enqueue_dma source(%arg11 : memref<8x1024xf32, #tpu.memory_space<vmem>>) target(%dma_start3A_120 : memref<8x1024xf32, #tpu.memory_space<hbm>>) target_semaphore(%arg19 : memref<!tpu.dma_semaphore, #tpu.memory_space<semaphore_mem>>)
      %mul3A_121 = arith.constant 4 : i32
      %mul3A_122 = arith.muli %scan3A_61, %mul3A_121 : i32
      %add3A_123 = arith.constant 2 : i32
      %add3A_124 = arith.addi %mul3A_122, %add3A_123 : i32
      %add3A_125 = arith.constant 0 : i32
      %add3A_126 = arith.addi %mul3A_2, %add3A_125 : i32
      %multiple_of3A_127 = tpu.assume_multiple %add3A_126, 8 : i32
      %dma_wait3A_128 = arith.constant 0 : i32
      %dma_wait3A_129 = tpu.memref_slice %arg2[%multiple_of3A_127, %dma_wait3A_128] : memref<16384x1024xf32, #tpu.memory_space<hbm>> -> memref<8x1024xf32, #tpu.memory_space<hbm>>
      %dma_wait3A_130 = arith.constant 0 : i32
      %dma_wait3A_131 = tpu.memref_slice %arg2[%multiple_of3A_127, %dma_wait3A_130] : memref<16384x1024xf32, #tpu.memory_space<hbm>> -> memref<8x1024xf32, #tpu.memory_space<hbm>>
      tpu.wait_dma2 semaphore(%arg16 : memref<!tpu.dma_semaphore, #tpu.memory_space<semaphore_mem>>) src(%dma_wait3A_131 : memref<8x1024xf32, #tpu.memory_space<hbm>>) dst(%arg8 : memref<8x1024xf32, #tpu.memory_space<vmem>>)
      %gt3A_132 = arith.constant 0 : i32
      %gt3A_133 = arith.cmpi sgt, %scan3A_61, %gt3A_132 : i32
      %convert_element_type3A_134 = arith.extui %gt3A_133 : i1 to i32
      %cond3A_135 = arith.constant 0 : i32
      %cond3A_136 = arith.cmpi ne, %convert_element_type3A_134, %cond3A_135 : i32
      scf.if %cond3A_136 {
        %add3A_185 = arith.constant 0 : i32
        %add3A_186 = arith.addi %mul3A_2, %add3A_185 : i32
        %multiple_of3A_187 = tpu.assume_multiple %add3A_186, 8 : i32
        %dma_wait3A_188 = arith.constant 0 : i32
        %dma_wait3A_189 = tpu.memref_slice %arg4[%multiple_of3A_187, %dma_wait3A_188] : memref<16384x1024xf32, #tpu.memory_space<hbm>> -> memref<8x1024xf32, #tpu.memory_space<hbm>>
        %dma_wait3A_190 = arith.constant 0 : i32
        %dma_wait3A_191 = tpu.memref_slice %arg4[%multiple_of3A_187, %dma_wait3A_190] : memref<16384x1024xf32, #tpu.memory_space<hbm>> -> memref<8x1024xf32, #tpu.memory_space<hbm>>
        tpu.wait_dma2 semaphore(%arg20 : memref<!tpu.dma_semaphore, #tpu.memory_space<semaphore_mem>>) src(%arg12 : memref<8x1024xf32, #tpu.memory_space<vmem>>) dst(%dma_wait3A_191 : memref<8x1024xf32, #tpu.memory_space<hbm>>)
      } else {
      }
      %parallel_loop3A_137 = arith.constant 0 : i32
      %parallel_loop3A_138 = arith.constant 64 : i32
      %parallel_loop3A_139 = arith.constant 1 : i32
      scf.for %parallel_loop3A_185 = %parallel_loop3A_137 to %parallel_loop3A_138 step %parallel_loop3A_139  : i32 {
        %parallel_loop3A_186 = arith.constant 16 : i32
        %parallel_loop3A_187 = arith.muli %parallel_loop3A_185, %parallel_loop3A_186 : i32
        %parallel_loop3A_188 = arith.index_cast %parallel_loop3A_187 : i32 to index
        %parallel_loop3A_189 = tpu.vector_load %arg5[%parallel_loop3A_188] {strides = array<i32>} : memref<1024xi32, #tpu.memory_space<vmem>>, vector<16xi32>,
        %parallel_loop3A_190 = arith.constant 0 : i32
        %parallel_loop3A_191 = vector.broadcast %parallel_loop3A_190 : i32 to vector<16xi32>
        %parallel_loop3A_192 = tpu.vector_load_idx %arg8[%parallel_loop3A_191, %parallel_loop3A_189] : memref<8x1024xf32, #tpu.memory_space<vmem>>[vector<16xi32>, vector<16xi32>], vector<16xf32>,
        %parallel_loop3A_193 = arith.constant 1 : i32
        %parallel_loop3A_194 = vector.broadcast %parallel_loop3A_193 : i32 to vector<16xi32>
        %parallel_loop3A_195 = tpu.vector_load_idx %arg8[%parallel_loop3A_194, %parallel_loop3A_189] : memref<8x1024xf32, #tpu.memory_space<vmem>>[vector<16xi32>, vector<16xi32>], vector<16xf32>,
        %parallel_loop3A_196 = arith.constant 2 : i32
        %parallel_loop3A_197 = vector.broadcast %parallel_loop3A_196 : i32 to vector<16xi32>
        %parallel_loop3A_198 = tpu.vector_load_idx %arg8[%parallel_loop3A_197, %parallel_loop3A_189] : memref<8x1024xf32, #tpu.memory_space<vmem>>[vector<16xi32>, vector<16xi32>], vector<16xf32>,
        %parallel_loop3A_199 = arith.constant 3 : i32
        %parallel_loop3A_200 = vector.broadcast %parallel_loop3A_199 : i32 to vector<16xi32>
        %parallel_loop3A_201 = tpu.vector_load_idx %arg8[%parallel_loop3A_200, %parallel_loop3A_189] : memref<8x1024xf32, #tpu.memory_space<vmem>>[vector<16xi32>, vector<16xi32>], vector<16xf32>,
        %parallel_loop3A_202 = arith.constant 4 : i32
        %parallel_loop3A_203 = vector.broadcast %parallel_loop3A_202 : i32 to vector<16xi32>
        %parallel_loop3A_204 = tpu.vector_load_idx %arg8[%parallel_loop3A_203, %parallel_loop3A_189] : memref<8x1024xf32, #tpu.memory_space<vmem>>[vector<16xi32>, vector<16xi32>], vector<16xf32>,
        %parallel_loop3A_205 = arith.constant 5 : i32
        %parallel_loop3A_206 = vector.broadcast %parallel_loop3A_205 : i32 to vector<16xi32>
        %parallel_loop3A_207 = tpu.vector_load_idx %arg8[%parallel_loop3A_206, %parallel_loop3A_189] : memref<8x1024xf32, #tpu.memory_space<vmem>>[vector<16xi32>, vector<16xi32>], vector<16xf32>,
        %parallel_loop3A_208 = arith.constant 6 : i32
        %parallel_loop3A_209 = vector.broadcast %parallel_loop3A_208 : i32 to vector<16xi32>
        %parallel_loop3A_210 = tpu.vector_load_idx %arg8[%parallel_loop3A_209, %parallel_loop3A_189] : memref<8x1024xf32, #tpu.memory_space<vmem>>[vector<16xi32>, vector<16xi32>], vector<16xf32>,
        %parallel_loop3A_211 = arith.constant 7 : i32
        %parallel_loop3A_212 = vector.broadcast %parallel_loop3A_211 : i32 to vector<16xi32>
        %parallel_loop3A_213 = tpu.vector_load_idx %arg8[%parallel_loop3A_212, %parallel_loop3A_189] : memref<8x1024xf32, #tpu.memory_space<vmem>>[vector<16xi32>, vector<16xi32>], vector<16xf32>,
        %parallel_loop3A_214 = arith.constant 0 : i32
        %parallel_loop3A_215 = arith.index_cast %parallel_loop3A_214 : i32 to index
        %parallel_loop3A_216 = arith.index_cast %parallel_loop3A_187 : i32 to index
        %parallel_loop3A_217 = tpu.vector_load %arg12[%parallel_loop3A_215, %parallel_loop3A_216] {strides = array<i32>} : memref<8x1024xf32, #tpu.memory_space<vmem>>, vector<16xf32>,
        tpu.vector_store %arg12[%parallel_loop3A_215, %parallel_loop3A_216], %parallel_loop3A_192 {strides = array<i32>} : memref<8x1024xf32, #tpu.memory_space<vmem>>, vector<16xf32>,
        %parallel_loop3A_218 = arith.constant 1 : i32
        %parallel_loop3A_219 = arith.index_cast %parallel_loop3A_218 : i32 to index
        %parallel_loop3A_220 = arith.index_cast %parallel_loop3A_187 : i32 to index
        %parallel_loop3A_221 = tpu.vector_load %arg12[%parallel_loop3A_219, %parallel_loop3A_220] {strides = array<i32>} : memref<8x1024xf32, #tpu.memory_space<vmem>>, vector<16xf32>,
        tpu.vector_store %arg12[%parallel_loop3A_219, %parallel_loop3A_220], %parallel_loop3A_195 {strides = array<i32>} : memref<8x1024xf32, #tpu.memory_space<vmem>>, vector<16xf32>,
        %parallel_loop3A_222 = arith.constant 2 : i32
        %parallel_loop3A_223 = arith.index_cast %parallel_loop3A_222 : i32 to index
        %parallel_loop3A_224 = arith.index_cast %parallel_loop3A_187 : i32 to index
        %parallel_loop3A_225 = tpu.vector_load %arg12[%parallel_loop3A_223, %parallel_loop3A_224] {strides = array<i32>} : memref<8x1024xf32, #tpu.memory_space<vmem>>, vector<16xf32>,
        tpu.vector_store %arg12[%parallel_loop3A_223, %parallel_loop3A_224], %parallel_loop3A_198 {strides = array<i32>} : memref<8x1024xf32, #tpu.memory_space<vmem>>, vector<16xf32>,
        %parallel_loop3A_226 = arith.constant 3 : i32
        %parallel_loop3A_227 = arith.index_cast %parallel_loop3A_226 : i32 to index
        %parallel_loop3A_228 = arith.index_cast %parallel_loop3A_187 : i32 to index
        %parallel_loop3A_229 = tpu.vector_load %arg12[%parallel_loop3A_227, %parallel_loop3A_228] {strides = array<i32>} : memref<8x1024xf32, #tpu.memory_space<vmem>>, vector<16xf32>,
        tpu.vector_store %arg12[%parallel_loop3A_227, %parallel_loop3A_228], %parallel_loop3A_201 {strides = array<i32>} : memref<8x1024xf32, #tpu.memory_space<vmem>>, vector<16xf32>,
        %parallel_loop3A_230 = arith.constant 4 : i32
        %parallel_loop3A_231 = arith.index_cast %parallel_loop3A_230 : i32 to index
        %parallel_loop3A_232 = arith.index_cast %parallel_loop3A_187 : i32 to index
        %parallel_loop3A_233 = tpu.vector_load %arg12[%parallel_loop3A_231, %parallel_loop3A_232] {strides = array<i32>} : memref<8x1024xf32, #tpu.memory_space<vmem>>, vector<16xf32>,
        tpu.vector_store %arg12[%parallel_loop3A_231, %parallel_loop3A_232], %parallel_loop3A_204 {strides = array<i32>} : memref<8x1024xf32, #tpu.memory_space<vmem>>, vector<16xf32>,
        %parallel_loop3A_234 = arith.constant 5 : i32
        %parallel_loop3A_235 = arith.index_cast %parallel_loop3A_234 : i32 to index
        %parallel_loop3A_236 = arith.index_cast %parallel_loop3A_187 : i32 to index
        %parallel_loop3A_237 = tpu.vector_load %arg12[%parallel_loop3A_235, %parallel_loop3A_236] {strides = array<i32>} : memref<8x1024xf32, #tpu.memory_space<vmem>>, vector<16xf32>,
        tpu.vector_store %arg12[%parallel_loop3A_235, %parallel_loop3A_236], %parallel_loop3A_207 {strides = array<i32>} : memref<8x1024xf32, #tpu.memory_space<vmem>>, vector<16xf32>,
        %parallel_loop3A_238 = arith.constant 6 : i32
        %parallel_loop3A_239 = arith.index_cast %parallel_loop3A_238 : i32 to index
        %parallel_loop3A_240 = arith.index_cast %parallel_loop3A_187 : i32 to index
        %parallel_loop3A_241 = tpu.vector_load %arg12[%parallel_loop3A_239, %parallel_loop3A_240] {strides = array<i32>} : memref<8x1024xf32, #tpu.memory_space<vmem>>, vector<16xf32>,
        tpu.vector_store %arg12[%parallel_loop3A_239, %parallel_loop3A_240], %parallel_loop3A_210 {strides = array<i32>} : memref<8x1024xf32, #tpu.memory_space<vmem>>, vector<16xf32>,
        %parallel_loop3A_242 = arith.constant 7 : i32
        %parallel_loop3A_243 = arith.index_cast %parallel_loop3A_242 : i32 to index
        %parallel_loop3A_244 = arith.index_cast %parallel_loop3A_187 : i32 to index
        %parallel_loop3A_245 = tpu.vector_load %arg12[%parallel_loop3A_243, %parallel_loop3A_244] {strides = array<i32>} : memref<8x1024xf32, #tpu.memory_space<vmem>>, vector<16xf32>,
        tpu.vector_store %arg12[%parallel_loop3A_243, %parallel_loop3A_244], %parallel_loop3A_213 {strides = array<i32>} : memref<8x1024xf32, #tpu.memory_space<vmem>>, vector<16xf32>,
      } {sc.loop_unroll_factor = 4 : i64, sc.parallel_access}
      %lt3A_140 = arith.constant 15 : i32
      %lt3A_141 = arith.cmpi slt, %scan3A_61, %lt3A_140 : i32
      %convert_element_type3A_142 = arith.extui %lt3A_141 : i1 to i32
      %cond3A_143 = arith.constant 0 : i32
      %cond3A_144 = arith.cmpi ne, %convert_element_type3A_142, %cond3A_143 : i32
      scf.if %cond3A_144 {
        %add3A_185 = arith.constant 4 : i32
        %add3A_186 = arith.addi %add3A_124, %add3A_185 : i32
        %mul3A_187 = arith.constant 8 : i32
        %mul3A_188 = arith.muli %add3A_186, %mul3A_187 : i32
        %add3A_189 = arith.addi %mul3A_2, %mul3A_188 : i32
        %multiple_of3A_190 = tpu.assume_multiple %add3A_189, 8 : i32
        %dma_start3A_191 = arith.constant 0 : i32
        %dma_start3A_192 = tpu.memref_slice %arg2[%multiple_of3A_190, %dma_start3A_191] : memref<16384x1024xf32, #tpu.memory_space<hbm>> -> memref<8x1024xf32, #tpu.memory_space<hbm>>
        %dma_start3A_193 = arith.constant 0 : i32
        %dma_start3A_194 = tpu.memref_slice %arg2[%multiple_of3A_190, %dma_start3A_193] : memref<16384x1024xf32, #tpu.memory_space<hbm>> -> memref<8x1024xf32, #tpu.memory_space<hbm>>
        tpu.enqueue_dma source(%dma_start3A_194 : memref<8x1024xf32, #tpu.memory_space<hbm>>) target(%arg8 : memref<8x1024xf32, #tpu.memory_space<vmem>>) target_semaphore(%arg16 : memref<!tpu.dma_semaphore, #tpu.memory_space<semaphore_mem>>)
      } else {
      }
      %mul3A_145 = arith.constant 8 : i32
      %mul3A_146 = arith.muli %add3A_124, %mul3A_145 : i32
      %add3A_147 = arith.addi %mul3A_2, %mul3A_146 : i32
      %multiple_of3A_148 = tpu.assume_multiple %add3A_147, 8 : i32
      %dma_start3A_149 = arith.constant 0 : i32
      %dma_start3A_150 = tpu.memref_slice %arg4[%multiple_of3A_148, %dma_start3A_149] : memref<16384x1024xf32, #tpu.memory_space<hbm>> -> memref<8x1024xf32, #tpu.memory_space<hbm>>
      %dma_start3A_151 = arith.constant 0 : i32
      %dma_start3A_152 = tpu.memref_slice %arg4[%multiple_of3A_148, %dma_start3A_151] : memref<16384x1024xf32, #tpu.memory_space<hbm>> -> memref<8x1024xf32, #tpu.memory_space<hbm>>
      tpu.enqueue_dma source(%arg12 : memref<8x1024xf32, #tpu.memory_space<vmem>>) target(%dma_start3A_152 : memref<8x1024xf32, #tpu.memory_space<hbm>>) target_semaphore(%arg20 : memref<!tpu.dma_semaphore, #tpu.memory_space<semaphore_mem>>)
      %mul3A_153 = arith.constant 4 : i32
      %mul3A_154 = arith.muli %scan3A_61, %mul3A_153 : i32
      %add3A_155 = arith.constant 3 : i32
      %add3A_156 = arith.addi %mul3A_154, %add3A_155 : i32
      %add3A_157 = arith.constant 0 : i32
      %add3A_158 = arith.addi %mul3A_2, %add3A_157 : i32
      %multiple_of3A_159 = tpu.assume_multiple %add3A_158, 8 : i32
      %dma_wait3A_160 = arith.constant 0 : i32
      %dma_wait3A_161 = tpu.memref_slice %arg2[%multiple_of3A_159, %dma_wait3A_160] : memref<16384x1024xf32, #tpu.memory_space<hbm>> -> memref<8x1024xf32, #tpu.memory_space<hbm>>
      %dma_wait3A_162 = arith.constant 0 : i32
      %dma_wait3A_163 = tpu.memref_slice %arg2[%multiple_of3A_159, %dma_wait3A_162] : memref<16384x1024xf32, #tpu.memory_space<hbm>> -> memref<8x1024xf32, #tpu.memory_space<hbm>>
      tpu.wait_dma2 semaphore(%arg17 : memref<!tpu.dma_semaphore, #tpu.memory_space<semaphore_mem>>) src(%dma_wait3A_163 : memref<8x1024xf32, #tpu.memory_space<hbm>>) dst(%arg9 : memref<8x1024xf32, #tpu.memory_space<vmem>>)
      %gt3A_164 = arith.constant 0 : i32
      %gt3A_165 = arith.cmpi sgt, %scan3A_61, %gt3A_164 : i32
      %convert_element_type3A_166 = arith.extui %gt3A_165 : i1 to i32
      %cond3A_167 = arith.constant 0 : i32
      %cond3A_168 = arith.cmpi ne, %convert_element_type3A_166, %cond3A_167 : i32
      scf.if %cond3A_168 {
        %add3A_185 = arith.constant 0 : i32
        %add3A_186 = arith.addi %mul3A_2, %add3A_185 : i32
        %multiple_of3A_187 = tpu.assume_multiple %add3A_186, 8 : i32
        %dma_wait3A_188 = arith.constant 0 : i32
        %dma_wait3A_189 = tpu.memref_slice %arg4[%multiple_of3A_187, %dma_wait3A_188] : memref<16384x1024xf32, #tpu.memory_space<hbm>> -> memref<8x1024xf32, #tpu.memory_space<hbm>>
        %dma_wait3A_190 = arith.constant 0 : i32
        %dma_wait3A_191 = tpu.memref_slice %arg4[%multiple_of3A_187, %dma_wait3A_190] : memref<16384x1024xf32, #tpu.memory_space<hbm>> -> memref<8x1024xf32, #tpu.memory_space<hbm>>
        tpu.wait_dma2 semaphore(%arg21 : memref<!tpu.dma_semaphore, #tpu.memory_space<semaphore_mem>>) src(%arg13 : memref<8x1024xf32, #tpu.memory_space<vmem>>) dst(%dma_wait3A_191 : memref<8x1024xf32, #tpu.memory_space<hbm>>)
      } else {
      }
      %parallel_loop3A_169 = arith.constant 0 : i32
      %parallel_loop3A_170 = arith.constant 64 : i32
      %parallel_loop3A_171 = arith.constant 1 : i32
      scf.for %parallel_loop3A_185 = %parallel_loop3A_169 to %parallel_loop3A_170 step %parallel_loop3A_171  : i32 {
        %parallel_loop3A_186 = arith.constant 16 : i32
        %parallel_loop3A_187 = arith.muli %parallel_loop3A_185, %parallel_loop3A_186 : i32
        %parallel_loop3A_188 = arith.index_cast %parallel_loop3A_187 : i32 to index
        %parallel_loop3A_189 = tpu.vector_load %arg5[%parallel_loop3A_188] {strides = array<i32>} : memref<1024xi32, #tpu.memory_space<vmem>>, vector<16xi32>,
        %parallel_loop3A_190 = arith.constant 0 : i32
        %parallel_loop3A_191 = vector.broadcast %parallel_loop3A_190 : i32 to vector<16xi32>
        %parallel_loop3A_192 = tpu.vector_load_idx %arg9[%parallel_loop3A_191, %parallel_loop3A_189] : memref<8x1024xf32, #tpu.memory_space<vmem>>[vector<16xi32>, vector<16xi32>], vector<16xf32>,
        %parallel_loop3A_193 = arith.constant 1 : i32
        %parallel_loop3A_194 = vector.broadcast %parallel_loop3A_193 : i32 to vector<16xi32>
        %parallel_loop3A_195 = tpu.vector_load_idx %arg9[%parallel_loop3A_194, %parallel_loop3A_189] : memref<8x1024xf32, #tpu.memory_space<vmem>>[vector<16xi32>, vector<16xi32>], vector<16xf32>,
        %parallel_loop3A_196 = arith.constant 2 : i32
        %parallel_loop3A_197 = vector.broadcast %parallel_loop3A_196 : i32 to vector<16xi32>
        %parallel_loop3A_198 = tpu.vector_load_idx %arg9[%parallel_loop3A_197, %parallel_loop3A_189] : memref<8x1024xf32, #tpu.memory_space<vmem>>[vector<16xi32>, vector<16xi32>], vector<16xf32>,
        %parallel_loop3A_199 = arith.constant 3 : i32
        %parallel_loop3A_200 = vector.broadcast %parallel_loop3A_199 : i32 to vector<16xi32>
        %parallel_loop3A_201 = tpu.vector_load_idx %arg9[%parallel_loop3A_200, %parallel_loop3A_189] : memref<8x1024xf32, #tpu.memory_space<vmem>>[vector<16xi32>, vector<16xi32>], vector<16xf32>,
        %parallel_loop3A_202 = arith.constant 4 : i32
        %parallel_loop3A_203 = vector.broadcast %parallel_loop3A_202 : i32 to vector<16xi32>
        %parallel_loop3A_204 = tpu.vector_load_idx %arg9[%parallel_loop3A_203, %parallel_loop3A_189] : memref<8x1024xf32, #tpu.memory_space<vmem>>[vector<16xi32>, vector<16xi32>], vector<16xf32>,
        %parallel_loop3A_205 = arith.constant 5 : i32
        %parallel_loop3A_206 = vector.broadcast %parallel_loop3A_205 : i32 to vector<16xi32>
        %parallel_loop3A_207 = tpu.vector_load_idx %arg9[%parallel_loop3A_206, %parallel_loop3A_189] : memref<8x1024xf32, #tpu.memory_space<vmem>>[vector<16xi32>, vector<16xi32>], vector<16xf32>,
        %parallel_loop3A_208 = arith.constant 6 : i32
        %parallel_loop3A_209 = vector.broadcast %parallel_loop3A_208 : i32 to vector<16xi32>
        %parallel_loop3A_210 = tpu.vector_load_idx %arg9[%parallel_loop3A_209, %parallel_loop3A_189] : memref<8x1024xf32, #tpu.memory_space<vmem>>[vector<16xi32>, vector<16xi32>], vector<16xf32>,
        %parallel_loop3A_211 = arith.constant 7 : i32
        %parallel_loop3A_212 = vector.broadcast %parallel_loop3A_211 : i32 to vector<16xi32>
        %parallel_loop3A_213 = tpu.vector_load_idx %arg9[%parallel_loop3A_212, %parallel_loop3A_189] : memref<8x1024xf32, #tpu.memory_space<vmem>>[vector<16xi32>, vector<16xi32>], vector<16xf32>,
        %parallel_loop3A_214 = arith.constant 0 : i32
        %parallel_loop3A_215 = arith.index_cast %parallel_loop3A_214 : i32 to index
        %parallel_loop3A_216 = arith.index_cast %parallel_loop3A_187 : i32 to index
        %parallel_loop3A_217 = tpu.vector_load %arg13[%parallel_loop3A_215, %parallel_loop3A_216] {strides = array<i32>} : memref<8x1024xf32, #tpu.memory_space<vmem>>, vector<16xf32>,
        tpu.vector_store %arg13[%parallel_loop3A_215, %parallel_loop3A_216], %parallel_loop3A_192 {strides = array<i32>} : memref<8x1024xf32, #tpu.memory_space<vmem>>, vector<16xf32>,
        %parallel_loop3A_218 = arith.constant 1 : i32
        %parallel_loop3A_219 = arith.index_cast %parallel_loop3A_218 : i32 to index
        %parallel_loop3A_220 = arith.index_cast %parallel_loop3A_187 : i32 to index
        %parallel_loop3A_221 = tpu.vector_load %arg13[%parallel_loop3A_219, %parallel_loop3A_220] {strides = array<i32>} : memref<8x1024xf32, #tpu.memory_space<vmem>>, vector<16xf32>,
        tpu.vector_store %arg13[%parallel_loop3A_219, %parallel_loop3A_220], %parallel_loop3A_195 {strides = array<i32>} : memref<8x1024xf32, #tpu.memory_space<vmem>>, vector<16xf32>,
        %parallel_loop3A_222 = arith.constant 2 : i32
        %parallel_loop3A_223 = arith.index_cast %parallel_loop3A_222 : i32 to index
        %parallel_loop3A_224 = arith.index_cast %parallel_loop3A_187 : i32 to index
        %parallel_loop3A_225 = tpu.vector_load %arg13[%parallel_loop3A_223, %parallel_loop3A_224] {strides = array<i32>} : memref<8x1024xf32, #tpu.memory_space<vmem>>, vector<16xf32>,
        tpu.vector_store %arg13[%parallel_loop3A_223, %parallel_loop3A_224], %parallel_loop3A_198 {strides = array<i32>} : memref<8x1024xf32, #tpu.memory_space<vmem>>, vector<16xf32>,
        %parallel_loop3A_226 = arith.constant 3 : i32
        %parallel_loop3A_227 = arith.index_cast %parallel_loop3A_226 : i32 to index
        %parallel_loop3A_228 = arith.index_cast %parallel_loop3A_187 : i32 to index
        %parallel_loop3A_229 = tpu.vector_load %arg13[%parallel_loop3A_227, %parallel_loop3A_228] {strides = array<i32>} : memref<8x1024xf32, #tpu.memory_space<vmem>>, vector<16xf32>,
        tpu.vector_store %arg13[%parallel_loop3A_227, %parallel_loop3A_228], %parallel_loop3A_201 {strides = array<i32>} : memref<8x1024xf32, #tpu.memory_space<vmem>>, vector<16xf32>,
        %parallel_loop3A_230 = arith.constant 4 : i32
        %parallel_loop3A_231 = arith.index_cast %parallel_loop3A_230 : i32 to index
        %parallel_loop3A_232 = arith.index_cast %parallel_loop3A_187 : i32 to index
        %parallel_loop3A_233 = tpu.vector_load %arg13[%parallel_loop3A_231, %parallel_loop3A_232] {strides = array<i32>} : memref<8x1024xf32, #tpu.memory_space<vmem>>, vector<16xf32>,
        tpu.vector_store %arg13[%parallel_loop3A_231, %parallel_loop3A_232], %parallel_loop3A_204 {strides = array<i32>} : memref<8x1024xf32, #tpu.memory_space<vmem>>, vector<16xf32>,
        %parallel_loop3A_234 = arith.constant 5 : i32
        %parallel_loop3A_235 = arith.index_cast %parallel_loop3A_234 : i32 to index
        %parallel_loop3A_236 = arith.index_cast %parallel_loop3A_187 : i32 to index
        %parallel_loop3A_237 = tpu.vector_load %arg13[%parallel_loop3A_235, %parallel_loop3A_236] {strides = array<i32>} : memref<8x1024xf32, #tpu.memory_space<vmem>>, vector<16xf32>,
        tpu.vector_store %arg13[%parallel_loop3A_235, %parallel_loop3A_236], %parallel_loop3A_207 {strides = array<i32>} : memref<8x1024xf32, #tpu.memory_space<vmem>>, vector<16xf32>,
        %parallel_loop3A_238 = arith.constant 6 : i32
        %parallel_loop3A_239 = arith.index_cast %parallel_loop3A_238 : i32 to index
        %parallel_loop3A_240 = arith.index_cast %parallel_loop3A_187 : i32 to index
        %parallel_loop3A_241 = tpu.vector_load %arg13[%parallel_loop3A_239, %parallel_loop3A_240] {strides = array<i32>} : memref<8x1024xf32, #tpu.memory_space<vmem>>, vector<16xf32>,
        tpu.vector_store %arg13[%parallel_loop3A_239, %parallel_loop3A_240], %parallel_loop3A_210 {strides = array<i32>} : memref<8x1024xf32, #tpu.memory_space<vmem>>, vector<16xf32>,
        %parallel_loop3A_242 = arith.constant 7 : i32
        %parallel_loop3A_243 = arith.index_cast %parallel_loop3A_242 : i32 to index
        %parallel_loop3A_244 = arith.index_cast %parallel_loop3A_187 : i32 to index
        %parallel_loop3A_245 = tpu.vector_load %arg13[%parallel_loop3A_243, %parallel_loop3A_244] {strides = array<i32>} : memref<8x1024xf32, #tpu.memory_space<vmem>>, vector<16xf32>,
        tpu.vector_store %arg13[%parallel_loop3A_243, %parallel_loop3A_244], %parallel_loop3A_213 {strides = array<i32>} : memref<8x1024xf32, #tpu.memory_space<vmem>>, vector<16xf32>,
      } {sc.loop_unroll_factor = 4 : i64, sc.parallel_access}
      %lt3A_172 = arith.constant 15 : i32
      %lt3A_173 = arith.cmpi slt, %scan3A_61, %lt3A_172 : i32
      %convert_element_type3A_174 = arith.extui %lt3A_173 : i1 to i32
      %cond3A_175 = arith.constant 0 : i32
      %cond3A_176 = arith.cmpi ne, %convert_element_type3A_174, %cond3A_175 : i32
      scf.if %cond3A_176 {
        %add3A_185 = arith.constant 4 : i32
        %add3A_186 = arith.addi %add3A_156, %add3A_185 : i32
        %mul3A_187 = arith.constant 8 : i32
        %mul3A_188 = arith.muli %add3A_186, %mul3A_187 : i32
        %add3A_189 = arith.addi %mul3A_2, %mul3A_188 : i32
        %multiple_of3A_190 = tpu.assume_multiple %add3A_189, 8 : i32
        %dma_start3A_191 = arith.constant 0 : i32
        %dma_start3A_192 = tpu.memref_slice %arg2[%multiple_of3A_190, %dma_start3A_191] : memref<16384x1024xf32, #tpu.memory_space<hbm>> -> memref<8x1024xf32, #tpu.memory_space<hbm>>
        %dma_start3A_193 = arith.constant 0 : i32
        %dma_start3A_194 = tpu.memref_slice %arg2[%multiple_of3A_190, %dma_start3A_193] : memref<16384x1024xf32, #tpu.memory_space<hbm>> -> memref<8x1024xf32, #tpu.memory_space<hbm>>
        tpu.enqueue_dma source(%dma_start3A_194 : memref<8x1024xf32, #tpu.memory_space<hbm>>) target(%arg9 : memref<8x1024xf32, #tpu.memory_space<vmem>>) target_semaphore(%arg17 : memref<!tpu.dma_semaphore, #tpu.memory_space<semaphore_mem>>)
      } else {
      }
      %mul3A_177 = arith.constant 8 : i32
      %mul3A_178 = arith.muli %add3A_156, %mul3A_177 : i32
      %add3A_179 = arith.addi %mul3A_2, %mul3A_178 : i32
      %multiple_of3A_180 = tpu.assume_multiple %add3A_179, 8 : i32
      %dma_start3A_181 = arith.constant 0 : i32
      %dma_start3A_182 = tpu.memref_slice %arg4[%multiple_of3A_180, %dma_start3A_181] : memref<16384x1024xf32, #tpu.memory_space<hbm>> -> memref<8x1024xf32, #tpu.memory_space<hbm>>
      %dma_start3A_183 = arith.constant 0 : i32
      %dma_start3A_184 = tpu.memref_slice %arg4[%multiple_of3A_180, %dma_start3A_183] : memref<16384x1024xf32, #tpu.memory_space<hbm>> -> memref<8x1024xf32, #tpu.memory_space<hbm>>
      tpu.enqueue_dma source(%arg13 : memref<8x1024xf32, #tpu.memory_space<vmem>>) target(%dma_start3A_184 : memref<8x1024xf32, #tpu.memory_space<hbm>>) target_semaphore(%arg21 : memref<!tpu.dma_semaphore, #tpu.memory_space<semaphore_mem>>)
    }
    %scan3A_33 = arith.constant 16 : i32
    %add3A_34 = arith.constant 0 : i32
    %add3A_35 = arith.addi %mul3A_2, %add3A_34 : i32
    %multiple_of3A_36 = tpu.assume_multiple %add3A_35, 8 : i32
    %dma_wait3A = arith.constant 0 : i32
    %dma_wait3A_37 = tpu.memref_slice %arg4[%multiple_of3A_36, %dma_wait3A] : memref<16384x1024xf32, #tpu.memory_space<hbm>> -> memref<8x1024xf32, #tpu.memory_space<hbm>>
    %dma_wait3A_38 = arith.constant 0 : i32
    %dma_wait3A_39 = tpu.memref_slice %arg4[%multiple_of3A_36, %dma_wait3A_38] : memref<16384x1024xf32, #tpu.memory_space<hbm>> -> memref<8x1024xf32, #tpu.memory_space<hbm>>
    tpu.wait_dma2 semaphore(%arg18 : memref<!tpu.dma_semaphore, #tpu.memory_space<semaphore_mem>>) src(%arg10 : memref<8x1024xf32, #tpu.memory_space<vmem>>) dst(%dma_wait3A_39 : memref<8x1024xf32, #tpu.memory_space<hbm>>)
    %add3A_40 = arith.constant 0 : i32
    %add3A_41 = arith.addi %mul3A_2, %add3A_40 : i32
    %multiple_of3A_42 = tpu.assume_multiple %add3A_41, 8 : i32
    %dma_wait3A_43 = arith.constant 0 : i32
    %dma_wait3A_44 = tpu.memref_slice %arg4[%multiple_of3A_42, %dma_wait3A_43] : memref<16384x1024xf32, #tpu.memory_space<hbm>> -> memref<8x1024xf32, #tpu.memory_space<hbm>>
    %dma_wait3A_45 = arith.constant 0 : i32
    %dma_wait3A_46 = tpu.memref_slice %arg4[%multiple_of3A_42, %dma_wait3A_45] : memref<16384x1024xf32, #tpu.memory_space<hbm>> -> memref<8x1024xf32, #tpu.memory_space<hbm>>
    tpu.wait_dma2 semaphore(%arg19 : memref<!tpu.dma_semaphore, #tpu.memory_space<semaphore_mem>>) src(%arg11 : memref<8x1024xf32, #tpu.memory_space<vmem>>) dst(%dma_wait3A_46 : memref<8x1024xf32, #tpu.memory_space<hbm>>)
    %add3A_47 = arith.constant 0 : i32
    %add3A_48 = arith.addi %mul3A_2, %add3A_47 : i32
    %multiple_of3A_49 = tpu.assume_multiple %add3A_48, 8 : i32
    %dma_wait3A_50 = arith.constant 0 : i32
    %dma_wait3A_51 = tpu.memref_slice %arg4[%multiple_of3A_49, %dma_wait3A_50] : memref<16384x1024xf32, #tpu.memory_space<hbm>> -> memref<8x1024xf32, #tpu.memory_space<hbm>>
    %dma_wait3A_52 = arith.constant 0 : i32
    %dma_wait3A_53 = tpu.memref_slice %arg4[%multiple_of3A_49, %dma_wait3A_52] : memref<16384x1024xf32, #tpu.memory_space<hbm>> -> memref<8x1024xf32, #tpu.memory_space<hbm>>
    tpu.wait_dma2 semaphore(%arg20 : memref<!tpu.dma_semaphore, #tpu.memory_space<semaphore_mem>>) src(%arg12 : memref<8x1024xf32, #tpu.memory_space<vmem>>) dst(%dma_wait3A_53 : memref<8x1024xf32, #tpu.memory_space<hbm>>)
    %add3A_54 = arith.constant 0 : i32
    %add3A_55 = arith.addi %mul3A_2, %add3A_54 : i32
    %multiple_of3A_56 = tpu.assume_multiple %add3A_55, 8 : i32
    %dma_wait3A_57 = arith.constant 0 : i32
    %dma_wait3A_58 = tpu.memref_slice %arg4[%multiple_of3A_56, %dma_wait3A_57] : memref<16384x1024xf32, #tpu.memory_space<hbm>> -> memref<8x1024xf32, #tpu.memory_space<hbm>>
    %dma_wait3A_59 = arith.constant 0 : i32
    %dma_wait3A_60 = tpu.memref_slice %arg4[%multiple_of3A_56, %dma_wait3A_59] : memref<16384x1024xf32, #tpu.memory_space<hbm>> -> memref<8x1024xf32, #tpu.memory_space<hbm>>
    tpu.wait_dma2 semaphore(%arg21 : memref<!tpu.dma_semaphore, #tpu.memory_space<semaphore_mem>>) src(%arg13 : memref<8x1024xf32, #tpu.memory_space<vmem>>) dst(%dma_wait3A_60 : memref<8x1024xf32, #tpu.memory_space<hbm>>)
    return
  }
}

</mosaic_0001>

<sc_bundles>
// kernel: kernel.3.cloned.1.call-start
scs
__scs_entry_jumppad:
0x0: {  	(pc) =	sbr.rel $0x88, $3  }
0x1: {  	(tag) =	ssettag $0x0;
	lr =	simm.s32 $0x1  }
0x2: {  	[smem:$0x3F9F] =	sst lr;
	_ =	strace $0xD0000000  }
0x3: {  	_ = 	snop  }
0x4: {  	_ = 	snop  }
0x5: {  	_ = 	snop  }
0x6: {  	_ = 	snop  }
0x7: {  	_ = 	snop  }
__scs_overlays_trampoline_lowered:
0x8: {  	[smem:$0x3FAE] =	sst s0  }
0x9: {  	[smem:$0x3FAF] =	sst s1  }
0xa: {  	[smem:$0x3FB0] =	sst s2  }
0xb: {  	[smem:$0x3FB1] =	sst s3  }
0xc: {  	[smem:$0x3FB2] =	sst s4  }
0xd: {  	[smem:$0x3FB3] =	sst s5  }
0xe: {  	[smem:$0x3FB4] =	sst s6  }
0xf: {  	[smem:$0x3FB5] =	sst s7  }
0x10: {  	[smem:$0x3FB6] =	sst s8  }
0x11: {  	[smem:$0x3FB7] =	sst s9;
	s0 =	simm.s32 @!p0 $0x0  }
0x12: {  	s1 =	sld [smem:$0x3F9D];
	s0 =	simm.s32 @p0 $0x1  }
0x13: {  	[smem:$0x3FB8] =	sst s0;
	s0 =	simm.s32 @!p1 $0x0  }
0x14: {  	s2 =	sld [smem:$0x3F9C];
	s0 =	simm.s32 @p1 $0x1  }
0x15: {  	[smem:$0x3FB9] =	sst s0;
	s0 =	simm.s32 @!p2 $0x0  }
0x16: {  	s3 =	sld [smem:$0x3FDB];
	s0 =	simm.s32 @p2 $0x1  }
0x17: {  	s4 =	simm.s32 $0x1BF5;
	[smem:$0x3FBB] =	sst s0  }
0x18: {  	s0 =	sld [smem:$0x3F9E];
	_ =	swait.ge [sflag:s4], $0x0  }
0x19: {  	s7 =	sld [smem:$0x3F9F]  }
0x1a: {  	s8 =	sadd.s32 $0xFFFFE003, lr  }
0x1b: {  	s9 =	sadd.s32 $0xFFFFFEF7, lr;
	s5 =	simm.s32 $0xFFFFFFFF;
	p2 =	slt.u32 s8, $0xFFFFF086  }
0x1c: {  	p1 =	slt.u32 s9, $0xF7A;
	s5 =	simm.s32 @!p2 $0x0  }
0x1d: {  	s5 =	simm.s32 @p1 $0x1;
	p0 =	seq.s32 s7, s2  }
0x1e: {  	s7 =	smul.u32 @!p0 $0xF7A, s2;
	p2 =	seq.s32 @!p0 s5, $0x0  }
0x1f: {  	s9 =	smul.u32 $0xF7A, s1;
	s8 =	simm.s32 @!p0 $0x1BF5;
	p2 =	por !p2, p0  }
0x20: {  	[sflag:s8] =	ssyncset.s32 @!p0 $0xFFFFF086;
	s6 =	sadd.s32 @!p0 s3, s7;
	s7 =	simm.s32 @!p0 $0x108  }
0x21: {  	s3 =	sadd.s32 s3, s9;
	s6 =	sadd.s32 @!p0 $0x88, s6;
	s7 =	simm.s32 @p2 $0x1082  }
0x22: {  	[simem:s7], [sflag:s8] =	dma.local @!p0 [hbm:s6], $0xF7A  }
0x23: {  	s9 =	sor.u32 $0xD0000000, s2;
	s6 =	simm.s32 $0x108;
	_ =	swait.ge @!p0 [sflag:s8], $0x0  }
0x24: {  	s3 =	sadd.s32 $0x88, s3;
	s6 =	simm.s32 @!p1 $0x1082;
	[sflag:s4] =	ssyncset.s32 $0xFFFFF086  }
0x25: {  	[simem:s6], [sflag:s4] =	dma.local [hbm:s3], $0xF7A  }
0x26: {  	[smem:$0x3F9F] =	sst s1;
	(tag) =	ssettag s2;
	_ =	strace s9  }
0x27: {  	s1 =	sld [smem:$0x3FAF]  }
0x28: {  	s2 =	sld [smem:$0x3FB0]  }
0x29: {  	s4 =	sld [smem:$0x3FB2]  }
0x2a: {  	p0 =	seq.s32 s5, $0x0;
	s5 =	sld [smem:$0x3FB3]  }
0x2b: {  	s6 =	sld [smem:$0x3FB4]  }
0x2c: {  	s7 =	sld [smem:$0x3FB5]  }
0x2d: {  	s3 =	simm.s32 $0x108;
	s8 =	sld [smem:$0x3FB6]  }
0x2e: {  	s3 =	simm.s32 @!p0 $0x1082;
	s9 =	sld [smem:$0x3FB7]  }
0x2f: {  	lr =	sadd.s32 s0, s3;
	s0 =	sld [smem:$0x3FAE]  }
0x30: {  	s3 =	sld [smem:$0x3FB1]  }
0x31: {  	[smem:$0x3FBA] =	sst s10  }
0x32: {  	s10 =	sld [smem:$0x3FB8];
	_ =	sdelay $0x3  }
0x33: {  	p0 =	seq.s32 s10, $0x1;
	s10 =	sld [smem:$0x3FBA];
	_ =	sdelay $0x3  }
0x34: {  	[smem:$0x3FBA] =	sst s10  }
0x35: {  	s10 =	sld [smem:$0x3FB9];
	_ =	sdelay $0x3  }
0x36: {  	p1 =	seq.s32 s10, $0x1;
	s10 =	sld [smem:$0x3FBA];
	_ =	sdelay $0x3  }
0x37: {  	[smem:$0x3FBA] =	sst s10  }
0x38: {  	s10 =	sld [smem:$0x3FBB]  }
0x39: {  	_ = 	snop;
	(pc) =	sbr.ind lr, $3  }
0x3a: {  	_ = 	snop  }
0x3b: {  	_ = 	snop  }
0x3c: {  	p2 =	seq.s32 s10, $0x1;
	s10 =	sld [smem:$0x3FBA]  }
0x3d: {  	_ =	shalt  }
0x3e: {  	_ =	shalt  }
0x3f: {  	_ =	shalt  }
0x40: {  	_ =	shalt  }
0x41: {  	_ =	shalt  }
0x42: {  	_ =	shalt  }
0x43: {  	_ =	shalt  }
0x44: {  	_ =	shalt  }
0x45: {  	_ =	shalt  }
0x46: {  	_ =	shalt  }
0x47: {  	_ =	shalt  }
0x48: {  	_ =	shalt  }
0x49: {  	_ =	shalt  }
0x4a: {  	_ =	shalt  }
0x4b: {  	_ =	shalt  }
0x4c: {  	_ =	shalt  }
0x4d: {  	_ =	shalt  }
0x4e: {  	_ =	shalt  }
0x4f: {  	_ =	shalt  }
0x50: {  	_ =	shalt  }
0x51: {  	_ =	shalt  }
0x52: {  	_ =	shalt  }
0x53: {  	_ =	shalt  }
0x54: {  	_ =	shalt  }
0x55: {  	_ =	shalt  }
0x56: {  	_ =	shalt  }
0x57: {  	_ =	shalt  }
0x58: {  	_ =	shalt  }
0x59: {  	_ =	shalt  }
0x5a: {  	_ =	shalt  }
0x5b: {  	_ =	shalt  }
0x5c: {  	_ =	shalt  }
0x5d: {  	_ =	shalt  }
0x5e: {  	_ =	shalt  }
0x5f: {  	_ =	shalt  }
0x60: {  	_ =	shalt  }
0x61: {  	_ =	shalt  }
0x62: {  	_ =	shalt  }
0x63: {  	_ =	shalt  }
0x64: {  	_ =	shalt  }
0x65: {  	_ =	shalt  }
0x66: {  	_ =	shalt  }
0x67: {  	_ =	shalt  }
0x68: {  	_ =	shalt  }
0x69: {  	_ =	shalt  }
0x6a: {  	_ =	shalt  }
0x6b: {  	_ =	shalt  }
0x6c: {  	_ =	shalt  }
0x6d: {  	_ =	shalt  }
0x6e: {  	_ =	shalt  }
0x6f: {  	_ =	shalt  }
0x70: {  	_ =	shalt  }
0x71: {  	_ =	shalt  }
0x72: {  	_ =	shalt  }
0x73: {  	_ =	shalt  }
0x74: {  	_ =	shalt  }
0x75: {  	_ =	shalt  }
0x76: {  	_ =	shalt  }
0x77: {  	_ =	shalt  }
0x78: {  	_ =	shalt  }
0x79: {  	_ =	shalt  }
0x7a: {  	_ =	shalt  }
0x7b: {  	_ =	shalt  }
0x7c: {  	_ =	shalt  }
0x7d: {  	_ =	shalt  }
0x7e: {  	_ =	shalt  }
0x7f: {  	_ =	shalt  }
0x80: {  	_ =	shalt  }
0x81: {  	_ =	shalt  }
0x82: {  	_ =	shalt  }
0x83: {  	_ =	shalt  }
0x84: {  	_ =	shalt  }
0x85: {  	_ =	shalt  }
0x86: {  	_ =	shalt  }
0x87: {  	_ =	shalt  }
.Lfunc_end0:
.L_simem_size_0:
called_computation_lowered:
.L_overlay_start_0:
0x88: {  	s2 =	sld [smem:$0x3FD9]  }
0x89: {  	s3 =	sld [smem:$0x3FFE];
	_ =	sdelay $0x1  }
0x8a: {  	s1 =	srdreg.scid  }
0x8b: {  	s0 =	sand.u32 $0x1, s1  }
0x8c: {  	s18 =	sshll.u32 s0, $0xA;
	s2 =	sadd.s32 s3, s2  }
0x8d: {  	s2 =	sadd.s32 s2, s18  }
0x8e: {  	[smem:$0x3FC6] =	sst s2  }
0x8f: {  	_ = 	snop  }
0x90: {  	s2 =	sld [smem:$0x3FC9]  }
0x91: {  	s19 =	sld [smem:$0x3FC8]  }
0x92: {  	s4 =	sld [smem:$0x3FD0];
	(tm) =	ssettm $0x1  }
0x93: {  	s5 =	sld [smem:$0x3FFB];
	_ =	sdelay $0x3  }
0x94: {  	_ =	strace s5  }
0x95: {  	s5 =	sld [smem:$0x3FFC];
	_ =	sdelay $0x3  }
0x96: {  	_ =	strace s5  }
0x97: {  	s5 =	sld [smem:$0x3FFD];
	_ =	sdelay $0x3  }
0x98: {  	_ =	strace s5  }
0x99: {  	_ =	strace $0x8FFFFFFF  }
0x9a: {  	s20 =	sld [smem:$0x3FDB];
	_ =	sdelay $0x1  }
0x9b: {  	s6 =	simm.s32 $_scs_section_size  }
0x9c: {  	s7 =	simm.s32 $_size__tile_overlayer_lowered;
	s8 =	simm.s32 $_tile_overlayer_lowered  }
0x9d: {  	s23 =	simm.s32 $0x1BFF;
	s22 =	sshll.u32 s8, $0x1;
	s5 =	sadd.s32 s6, s20  }
0x9e: {  	s9 =	simm.s32 $0x0;
	s21 =	sshll.u32 s7, $0x1;
	s7 =	sadd.s32 s22, s5  }
0x9f: {  	[timem:s9], [sflag:s23] =	dma.local [hbm:s7], s21  }
0xa0: {  	_ =	swait.ge [sflag:s23], s21  }
0xa1: {  	s6 =	ssub.s32 $0x0, s21;
	[sflag:s23] =	ssyncset.done $0x0  }
0xa2: {  	[sflag:s23] =	ssyncadd.s32 s6;
	_ =	sdelay $0x1  }
0xa3: {  	s24 =	simm.s32 $0x1B8B  }
0xa4: {  	_ =	swait.ge [sflag:s24], $0x1  }
0xa5: {  	[sflag:s24] =	ssyncset.done $0x0  }
0xa6: {  	s25 =	simm.s32 $0x1B8E;
	[sflag:s24] =	ssyncadd.s32 $0xFFFFFFFF  }
0xa7: {  	s26 =	simm.s32 $execute0_lowered;
	[smem:$0x3FD2] =	sst s25  }
0xa8: {  	s6 =	sshll.u32 s26, $0x1;
	_ =	strace $0x80000046;
	[dreg:$0x1] =	wrdreg $0xFFFFFFFF  }
0xa9: {  	s28 =	simm.s32 $_size_execute0_lowered;
	s5 =	sadd.s32 s5, s6;
	[dreg:$0x0] =	wrdreg $0x0  }
0xaa: {  	s6 =	sshll.u32 s28, $0x1;
	[dreg:$0x2] =	wrdreg s5  }
0xab: {  	[dreg:$0x3] =	wrdreg s6  }
0xac: {  	[dreg:$0x4] =	wrdreg $0xC0  }
0xad: {  	_ =	task [dreg:s9], $0x5FFFF  }
0xae: {  	[dreg:$0x1] =	wrdreg $0xFFFFFFFF  }
0xaf: {  	[dreg:$0x0] =	wrdreg $0x60  }
0xb0: {  	[dreg:$0x2] =	wrdreg s2  }
0xb1: {  	[dreg:$0x3] =	wrdreg s19  }
0xb2: {  	[dreg:$0x4] =	wrdreg s4  }
0xb3: {  	[dreg:$0x5] =	wrdreg $0x9  }
0xb4: {  	_ =	task.clear_ibuf [dreg:s9], $0x6FFFF;
	_ =	strace $0x90000046  }
0xb5: {  	s29 =	simm.s32 $0x9;
	_ =	strace $0x80000048  }
0xb6: {  	_ =	swait.ge [sflag:s29], $0x1  }
0xb7: {  	[sflag:s29] =	ssyncadd.s32 $0xFFFFFFFF  }
0xb8: {  	_ =	strace $0x90000048  }
0xb9: {  	_ =	sfence  }
0xba: {  	s30 =	sld [smem:$0x0];
	_ =	sdelay $0x2  }
0xbb: {  	s31 =	sshll.u32 s1, $0xD;
	s1 =	sshrl.u32 s1, $0x2  }
0xbc: {  	s3 =	sand.u32 $0x4000, s31;
	s1 =	sadd.s32 s1, s30  }
0xbd: {  	s0 =	sor.u32 s3, s0;
	s1 =	sshll.u32 s1, $0x11  }
0xbe: {  	s0 =	sor.u32 s1, s0  }
0xbf: {  	s0 =	sadd.s32 $0x8F2B, s0  }
0xc0: {  	[sflag:s0] =	ssyncadd.remote.s32 $0x1  }
0xc1: {  	_ =	sfence.sel $0xFFFF  }
0xc2: {  	[dreg:$0x0] =	wrdreg $0xFFFFFFFF;
	(pc) =	sbr.abs _section_cstart, $3  }
0xc3: {  	[dreg:$0x1] =	wrdreg $0xFFFFFFFF  }
0xc4: {  	_ =	task.clear_ibuf [dreg:s9], $0x2FFFF;
	_ =	strace $0x9FFFFFFF  }
0xc5: {  	(tm) =	ssettm $0x7FFFFFFF  }
tec
execute0_lowered:
.L_overlay_start_1:
0x0: {  	(tag) =	ssettag $0x1  }
0x1: {  	s0 =	srdreg.scid  }
0x2: {  	s1 =	stileid.u32;
	s0 =	sand.u32 $0x1, s0  }
0x3: {  	s2 =	rddreg [dreg:$0x0];
	s1 =	sshll.u32 s1, $0xA;
	s3 =	sshll.u32 s0, $0x9  }
0x4: {  	s26 =	rddreg [dreg:$0x2];
	s5 =	simm.s32 $0x0;
	s6 =	sor.u32 s3, s1  }
0x5: {  	[smem:$0x7FF] =	sst s5;
	s25 =	sor.u32 $0x20, s6  }
0x6: {  	_ =	strace $0x80000047;
	s29 =	sor.u32 $0x28, s6;
	[dreg:$0x8] =	wrdreg s25  }
0x7: {  	s0 =	ssub.s32 $0x2, s0;
	s30 =	sor.u32 $0x30, s6;
	[dreg:$0xa] =	wrdreg s29  }
0x8: {  	s3 =	sshll.u32 s6, $0x7;
	s31 =	sor.u32 $0x38, s6;
	[dreg:$0xb] =	wrdreg s30  }
0x9: {  	s22 =	sshrl.u32 s0, $0x1;
	s23 =	sadd.s32 s2, s3;
	[dreg:$0xc] =	wrdreg s31  }
0xa: {  	s0 =	ssub.s32 s0, s22;
	s28 =	sadd.s32 s26, s3;
	[dreg:$0x4] =	wrdreg s23  }
0xb: {  	s0 =	smax.u32 s0, $0x1;
	[dreg:$0x9] =	wrdreg s28  }
0xc: {  	s17 =	simm.s32 $0x400;
	s4 =	sadd.s32 $0x400, s23;
	[dreg:$0xd] =	wrdreg s0  }
0xd: {  	s18 =	simm.s32 $0x2400;
	s24 =	sadd.s32 $0x800, s23;
	[dreg:$0x5] =	wrdreg s4  }
0xe: {  	s19 =	simm.s32 $0x4400;
	s1 =	sadd.s32 $0xC00, s23;
	[dreg:$0x6] =	wrdreg s24  }
0xf: {  	s20 =	simm.s32 $0x6400;
	s3 =	simm.s32 $0x0;
	[dreg:$0x7] =	wrdreg s1  }
.LBB2_1:
0x10: {  	[dreg:$0xe] =	wrdreg s3  }
0x11: {  	s0 =	rddreg [dreg:$0x4]  }
0x12: {  	[tilespmem:s17], [sflag:$0x1] =	stream.linear.gather [hbm4b:s0+s5], $0x2000, $0x38;
	[tilespmem:$0x10400] =	vst v63  }
0x13: {  	s25 =	rddreg [dreg:$0x5]  }
0x14: {  	[tilespmem:s18], [sflag:$0x2] =	stream.linear.gather [hbm4b:s25+s5], $0x2000, $0x38;
	[tilespmem:$0x10400] =	vst v63  }
0x15: {  	s28 =	rddreg [dreg:$0x6]  }
0x16: {  	[tilespmem:s19], [sflag:$0x3] =	stream.linear.gather [hbm4b:s28+s5], $0x2000, $0x38;
	[tilespmem:$0x10400] =	vst v63  }
0x17: {  	s29 =	rddreg [dreg:$0x7]  }
0x18: {  	[tilespmem:s20], [sflag:$0x4] =	stream.linear.gather [hbm4b:s29+s5], $0x2000, $0x38;
	[tilespmem:$0x10400] =	vst v63  }
0x19: {  	s30 =	rddreg [dreg:$0x1];
	s31 =	simm.s32 $0x9  }
0x1a: {  	[tilespmem:s5], [sflag:$0x9] =	stream.linear.gather [hbm4b:s30+s5], $0x400, $0x38;
	[tilespmem:$0x10400] =	vst v63  }
0x1b: {  	_ =	swait.ge [sflag:s31], $0x400  }
0x1c: {  	[sflag:s31] =	ssyncset.done $0x0  }
0x1d: {  	s9 =	simm.s32 $0x0;
	[sflag:s31] =	ssyncadd.s32 $0xFFFFFC00  }
.LBB2_2:
0x1e: {  	s0 =	simm.s32 $0x1  }
0x1f: {  	_ =	swait.ge [sflag:s0], $0x2000  }
0x20: {  	p1 =	seq.s32 s9, $0x0;
	[sflag:s0] =	ssyncset.done $0x0  }
0x21: {  	s1 =	simm.s32 $0x0;
	[sflag:s0] =	ssyncadd.s32 $0xFFFFE000;
	s0 =	simm.s32 @!p1 $0x5  }
0x22: {  	s3 =	sand.u32 $0x40, s1;
	_ =	swait.ge @!p1 [sflag:s0], $0x2000  }
0x23: {  	s7 =	sand.u32 $0x380, s1;
	s4 =	sor.u32 $0x10, s3;
	[sflag:s0] =	ssyncset.done @!p1 $0x0  }
0x24: {  	s8 =	sor.u32 $0x20, s3;
	s25 =	sor.u32 s4, s7;
	[sflag:s0] =	ssyncadd.s32 @!p1 $0xFFFFE000  }
0x25: {  	s29 =	sor.u32 s8, s7;
	v0 =	vld [tilespmem:s25+$0x0]  }
0x26: {  	v3 =	vld [tilespmem:s29+$0x0];
	_ =	sdelay $0x3  }
0x27: {  	v2 =	vshll.u32 v0, $0x3  }
0x28: {  	s16 =	simm.s32 $0x40;
	s10 =	sor.u32 $0x30, s3;
	v0 =	vand.u32 $0x7F, v0;
	v5 =	vshll.u32 v3, $0x3;
	v2 =	vand.u32 $0xFFFFFC00, v2  }
0x29: {  	s28 =	sor.u32 s10, s7;
	s7 =	sand.u32 $0x40, s16;
	v3 =	vand.u32 $0x7F, v3;
	v5 =	vand.u32 $0xFFFFFC00, v5;
	v2 =	vor.u32 v0, v2  }
0x2a: {  	s11 =	sand.u32 $0x380, s16;
	s21 =	sor.u32 $0x10, s7;
	v1 =	vld [tilespmem:s28+$0x0];
	v3 =	vor.u32 v3, v5  }
0x2b: {  	s13 =	sor.u32 s21, s11;
	s0 =	sor.u32 $0x20, s7;
	v8 =	vld [tilespmem:s1+$0x0];
	v4 =	vor.u32 $0x200, v2  }
0x2c: {  	s14 =	sor.u32 s0, s11;
	v29 =	vld [tilespmem:s13+$0x0];
	v14 =	vor.u32 $0x100, v2  }
0x2d: {  	v31 =	vld [tilespmem:s14+$0x0];
	v15 =	vor.u32 $0x180, v2  }
0x2e: {  	v26 =	vor.u32 $0x100, v3;
	v7 =	vld.idx.msk [tilespmem:v2+s17+$0x0], $0xffff  }
0x2f: {  	v28 =	vor.u32 $0x180, v3;
	v17 =	vld.idx.msk [tilespmem:v3+s17+$0x0], $0xffff  }
0x30: {  	v0 =	vshll.u32 v1, $0x3;
	v30 =	vor.u32 $0x200, v3;
	v6 =	vld.idx.msk [tilespmem:v4+s17+$0x0], $0xffff  }
0x31: {  	v1 =	vand.u32 $0x7F, v1;
	v0 =	vand.u32 $0xFFFFFC00, v0;
	v4 =	vor.u32 $0x80, v2;
	v20 =	vld.idx.msk [tilespmem:v14+s17+$0x0], $0xffff  }
0x32: {  	v1 =	vor.u32 v1, v0;
	v22 =	vld.idx.msk [tilespmem:v15+s17+$0x0], $0xffff  }
0x33: {  	v0 =	vor.u32 $0x280, v1;
	v26 =	vld.idx.msk [tilespmem:v26+s17+$0x0], $0xffff  }
0x34: {  	v9 =	vor.u32 $0x200, v1;
	v28 =	vld.idx.msk [tilespmem:v28+s17+$0x0], $0xffff  }
0x35: {  	v12 =	vshll.u32 v8, $0x3;
	v10 =	vor.u32 $0x100, v1;
	v30 =	vld.idx.msk [tilespmem:v30+s17+$0x0], $0xffff  }
0x36: {  	v11 =	vor.u32 $0x300, v2;
	v18 =	vld.idx.msk [tilespmem:v4+s17+$0x0], $0xffff;
	v4 =	vand.u32 $0x7F, v8;
	v8 =	vand.u32 $0xFFFFFC00, v12  }
0x37: {  	v16 =	vor.u32 $0x300, v1;
	v5 =	vld.idx.msk [tilespmem:v1+s17+$0x0], $0xffff;
	v4 =	vor.u32 v4, v8  }
0x38: {  	v13 =	vld.idx.msk [tilespmem:v0+s17+$0x0], $0xffff;
	v8 =	vor.u32 $0x380, v4  }
0x39: {  	v19 =	vor.u32 $0x380, v1;
	v9 =	vld.idx.msk [tilespmem:v9+s17+$0x0], $0xffff  }
0x3a: {  	v0 =	vor.u32 $0x380, v3;
	v10 =	vld.idx.msk [tilespmem:v10+s17+$0x0], $0xffff  }
0x3b: {  	v12 =	vld.idx.msk [tilespmem:v11+s17+$0x0], $0xffff;
	v11 =	vor.u32 $0x80, v3  }
0x3c: {  	v32 =	vor.u32 $0x280, v3;
	v14 =	vld.idx.msk [tilespmem:v16+s17+$0x0], $0xffff;
	v3 =	vor.u32 $0x300, v3  }
0x3d: {  	v15 =	vld.idx.msk [tilespmem:v8+s17+$0x0], $0xffff;
	v8 =	vor.u32 $0x80, v1;
	v1 =	vor.u32 $0x180, v1  }
0x3e: {  	v16 =	vld.idx.msk [tilespmem:v19+s17+$0x0], $0xffff  }
0x3f: {  	v0 =	vld.idx.msk [tilespmem:v0+s17+$0x0], $0xffff  }
0x40: {  	v21 =	vor.u32 $0x200, v4;
	v11 =	vld.idx.msk [tilespmem:v11+s17+$0x0], $0xffff  }
0x41: {  	v63 =	vld.idx.msk [tilespmem:v3+s17+$0x0], $0xffff  }
0x42: {  	s30 =	sand.u32 $0x1C00, s1;
	v23 =	vor.u32 $0x280, v4;
	v1 =	vld.idx.msk [tilespmem:v1+s17+$0x0], $0xffff  }
0x43: {  	s12 =	sadd.s32 $0x8400, s30;
	v24 =	vor.u32 $0x300, v4;
	v8 =	vld.idx.msk [tilespmem:v8+s17+$0x0], $0xffff  }
0x44: {  	s15 =	sor.u32 s10, s12;
	s31 =	sor.u32 $0x30, s7;
	v27 =	vld.idx.msk [tilespmem:v4+s17+$0x0], $0xffff  }
0x45: {  	s11 =	sor.u32 s31, s11;
	v21 =	vld.idx.msk [tilespmem:v21+s17+$0x0], $0xffff;
	[tilespmem:s15+$0x0] =	vst v5;
	v5 =	vor.u32 $0x380, v2  }
0x46: {  	[tilespmem:s15+$0x100] =	vst v10;
	v10 =	vld [tilespmem:s11+$0x0];
	v2 =	vor.u32 $0x280, v2  }
0x47: {  	p0 =	por $0x0, $0x0;
	v19 =	vor.u32 $0x100, v4;
	v23 =	vld.idx.msk [tilespmem:v23+s17+$0x0], $0xffff;
	[tilespmem:s15+$0x180] =	vst v1  }
0x48: {  	p2 =	por p0, p0;
	s8 =	sor.u32 s8, s12;
	s13 =	simm.s32 $0x1;
	v25 =	vor.u32 $0x80, v4;
	v24 =	vld.idx.msk [tilespmem:v24+s17+$0x0], $0xffff;
	[tilespmem:s15+$0x80] =	vst v8  }
0x49: {  	s13 =	simm.s32 @!p2 $0x0;
	v1 =	vshll.u32 v29, $0x3;
	v8 =	vor.u32 $0x180, v4;
	v4 =	vand.u32 $0x7F, v29;
	v29 =	vld.idx.msk [tilespmem:v32+s17+$0x0], $0xffff;
	[tilespmem:s8+$0x0] =	vst v17  }
0x4a: {  	s4 =	sor.u32 s4, s12;
	s22 =	sshll.u32 s13, $0x6;
	v33 =	vld.idx.msk [tilespmem:v5+s17+$0x0], $0xffff;
	[tilespmem:s8+$0x100] =	vst v26;
	v1 =	vand.u32 $0xFFFFFC00, v1  }
0x4b: {  	s10 =	sadd.s32 $0x0, s22;
	v35 =	vld.idx.msk [tilespmem:v2+s17+$0x0], $0xffff;
	[tilespmem:s4+$0x180] =	vst v22;
	v4 =	vor.u32 v4, v1;
	v1 =	vshll.u32 v10, $0x3  }
0x4c: {  	v19 =	vld.idx.msk [tilespmem:v19+s17+$0x0], $0xffff;
	s11 =	sadd.s32 $0x30, s10;
	v3 =	vand.u32 $0x7F, v10;
	[tilespmem:s4+$0x100] =	vst v20;
	v10 =	vor.u32 $0x200, v4;
	v1 =	vand.u32 $0xFFFFFC00, v1  }
0x4d: {  	v25 =	vld.idx.msk [tilespmem:v25+s17+$0x0], $0xffff;
	s23 =	sor.u32 $0x200, s11;
	[tilespmem:s8+$0x80] =	vst v11;
	v34 =	vor.u32 v3, v1  }
0x4e: {  	s24 =	sor.u32 $0x280, s11;
	[tilespmem:s23+$0x8400] =	vst v9;
	v3 =	vld [tilespmem:s16+$0x0];
	v5 =	vor.u32 $0x280, v34  }
0x4f: {  	[tilespmem:s24+$0x8400] =	vst v13;
	v1 =	vshll.u32 v31, $0x3;
	v13 =	vor.u32 $0x200, v34;
	v26 =	vld.idx.msk [tilespmem:v8+s17+$0x0], $0xffff  }
0x50: {  	s3 =	sor.u32 s3, s12;
	[tilespmem:s8+$0x180] =	vst v28;
	v8 =	vand.u32 $0x7F, v31;
	v1 =	vand.u32 $0xFFFFFC00, v1;
	v20 =	vor.u32 $0x100, v34;
	v2 =	vld.idx.msk [tilespmem:v4+s17+$0x0], $0xffff  }
0x51: {  	[tilespmem:s3+$0x100] =	vst v19;
	v19 =	vor.u32 $0x80, v4;
	v9 =	vor.u32 v8, v1;
	v1 =	vld.idx.msk [tilespmem:v10+s17+$0x0], $0xffff  }
0x52: {  	[tilespmem:s3+$0x0] =	vst v27;
	v27 =	vor.u32 $0x300, v4;
	v17 =	vld.idx.msk [tilespmem:v34+s17+$0x0], $0xffff  }
0x53: {  	[tilespmem:s4+$0x80] =	vst v18;
	v28 =	vor.u32 $0x380, v34;
	v8 =	vld.idx.msk [tilespmem:v5+s17+$0x0], $0xffff  }
0x54: {  	s30 =	sadd.s32 $0x10, s10;
	[tilespmem:s4+$0x0] =	vst v7;
	v11 =	vld.idx.msk [tilespmem:v13+s17+$0x0], $0xffff  }
0x55: {  	s13 =	sor.u32 $0x200, s30;
	[tilespmem:s3+$0x80] =	vst v25;
	v25 =	vor.u32 $0x380, v9;
	v22 =	vld.idx.msk [tilespmem:v20+s17+$0x0], $0xffff  }
0x56: {  	[tilespmem:s13+$0x8400] =	vst v6;
	v13 =	vor.u32 $0x100, v4;
	v5 =	vld.idx.msk [tilespmem:v19+s17+$0x0], $0xffff  }
0x57: {  	s25 =	sor.u32 $0x200, s10;
	v18 =	vshll.u32 v3, $0x3;
	[tilespmem:s3+$0x180] =	vst v26;
	v20 =	vor.u32 $0x180, v4;
	v19 =	vand.u32 $0x7F, v3;
	v3 =	vld.idx.msk [tilespmem:v27+s17+$0x0], $0xffff  }
0x58: {  	s28 =	sor.u32 $0x280, s10;
	v26 =	vor.u32 $0x300, v34;
	v18 =	vand.u32 $0xFFFFFC00, v18;
	v6 =	vld.idx.msk [tilespmem:v28+s17+$0x0], $0xffff;
	[tilespmem:s25+$0x8400] =	vst v21  }
0x59: {  	s29 =	sor.u32 $0x300, s10;
	v27 =	vor.u32 $0x80, v9;
	v10 =	vld.idx.msk [tilespmem:v9+s17+$0x0], $0xffff;
	[tilespmem:s28+$0x8400] =	vst v23;
	v23 =	vor.u32 v19, v18  }
0x5a: {  	s8 =	sadd.s32 $0x20, s10;
	v21 =	vld.idx.msk [tilespmem:v25+s17+$0x0], $0xffff;
	[tilespmem:s29+$0x8400] =	vst v24;
	v24 =	vor.u32 $0x380, v23  }
0x5b: {  	s10 =	sor.u32 $0x200, s8;
	v25 =	vor.u32 $0x200, v23;
	v13 =	vld.idx.msk [tilespmem:v13+s17+$0x0], $0xffff  }
0x5c: {  	s22 =	sor.u32 $0x300, s11;
	[tilespmem:s10+$0x8400] =	vst v30;
	v28 =	vor.u32 $0x100, v23;
	v19 =	vld.idx.msk [tilespmem:v20+s17+$0x0], $0xffff  }
0x5d: {  	s24 =	sor.u32 $0x380, s11;
	[tilespmem:s22+$0x8400] =	vst v14;
	v20 =	vor.u32 $0x280, v23;
	v7 =	vld.idx.msk [tilespmem:v26+s17+$0x0], $0xffff  }
0x5e: {  	p6 =	por !p0, !p0;
	s14 =	sor.u32 $0x280, s8;
	[tilespmem:s24+$0x8400] =	vst v16;
	v26 =	vor.u32 $0x300, v23;
	v18 =	vld.idx.msk [tilespmem:v27+s17+$0x0], $0xffff  }
0x5f: {  	p0 =	por p6, p6;
	s15 =	sor.u32 $0x280, s30;
	[tilespmem:s14+$0x8400] =	vst v29;
	v31 =	vor.u32 $0x80, v23;
	v27 =	vld.idx.msk [tilespmem:v24+s17+$0x0], $0xffff  }
0x60: {  	s1 =	sor.u32 s1, s1;
	p2 =	por !p6, !p6;
	[tilespmem:s15+$0x8400] =	vst v35;
	v29 =	vor.u32 $0x80, v34;
	s25 =	sor.u32 $0x300, s30;
	v14 =	vld.idx.msk [tilespmem:v25+s17+$0x0], $0xffff  }
0x61: {  	s23 =	sor.u32 $0x380, s1;
	s1 =	simm.s32 $0x200;
	s10 =	sshll.u32 s9, $0x5;
	v30 =	vor.u32 $0x180, v34;
	[tilespmem:s25+$0x8400] =	vst v12;
	v24 =	vld.idx.msk [tilespmem:v28+s17+$0x0], $0xffff  }
0x62: {  	s11 =	sor.u32 $0x380, s8;
	s3 =	simm.s32 $0x4;
	s28 =	sor.u32 $0x380, s30;
	[tilespmem:s23+$0x8400] =	vst v15;
	v15 =	vld.idx.msk [tilespmem:v20+s17+$0x0], $0xffff  }
0x63: {  	s30 =	sand.u32 $0x1C00, s1;
	s25 =	simm.s32 $0x80;
	s29 =	sor.u32 $0x300, s8;
	[tilespmem:s28+$0x8400] =	vst v33;
	v16 =	vld.idx.msk [tilespmem:v26+s17+$0x0], $0xffff  }
0x64: {  	v12 =	vor.u32 $0x280, v4;
	s8 =	simm.s32 $0x80;
	s4 =	sadd.s32 $0x8400, s30;
	s23 =	simm.s32 $0x400;
	[tilespmem:s29+$0x8400] =	vst v63;
	v20 =	vor.u32 $0x180, v23;
	v26 =	vld.idx.msk [tilespmem:v31+s17+$0x0], $0xffff  }
.LBB2_3:
0x65: {  	s13 =	sand.u32 $0x40, s25;
	s3 =	sadd.s32 $0x4, s3;
	v28 =	vld.idx.msk [tilespmem:v29+s17+$0x0], $0xffff;
	s15 =	sor.u32 s31, s4;
	[tilespmem:s11+$0x8400] =	vst v0;
	v0 =	vmov v21;
	v25 =	vmov v27  }
0x66: {  	s11 =	sand.u32 $0x380, s25;
	v21 =	vor.u32 $0x100, v9;
	s14 =	sor.u32 $0x10, s13;
	s22 =	sor.u32 $0x20, s13;
	v27 =	vld.idx.msk [tilespmem:v30+s17+$0x0], $0xffff  }
0x67: {  	v29 =	vor.u32 $0x180, v9;
	s31 =	sor.u32 $0x30, s13;
	s12 =	sor.u32 s14, s11;
	s28 =	sor.u32 s22, s11;
	v23 =	vld.idx.msk [tilespmem:v23+s17+$0x0], $0xffff;
	[tilespmem:s15+$0x100] =	vst v22  }
0x68: {  	p3 =	slt.u32 s3, $0x3C;
	v30 =	vor.u32 $0x200, v9;
	s11 =	sor.u32 s31, s11;
	v22 =	vld [tilespmem:s12+$0x0];
	s12 =	simm.s32 $0x1  }
0x69: {  	v32 =	vor.u32 $0x280, v9;
	v31 =	vld [tilespmem:s28+$0x0];
	s12 =	simm.s32 @!p0 $0x0;
	[tilespmem:s15+$0x0] =	vst v17;
	p0 =	por p2, p2  }
0x6a: {  	v9 =	vor.u32 $0x300, v9;
	v17 =	vld [tilespmem:s11+$0x0];
	s11 =	sshll.u32 s12, $0x6  }
0x6b: {  	v33 =	vor.u32 $0x380, v4;
	s12 =	sadd.s32 s11, s1;
	v21 =	vld.idx.msk [tilespmem:v21+s17+$0x0], $0xffff  }
0x6c: {  	s28 =	sadd.s32 $0x10, s12;
	v34 =	vld.idx.msk [tilespmem:v29+s17+$0x0], $0xffff;
	s30 =	sadd.s32 $0x20, s12;
	[tilespmem:s15+$0x180] =	vst v27;
	s11 =	sadd.s32 $0x30, s12  }
0x6d: {  	v4 =	vshll.u32 v22, $0x3;
	v27 =	vld.idx.msk [tilespmem:v30+s17+$0x0], $0xffff;
	[tilespmem:s15+$0x80] =	vst v28;
	s15 =	sor.u32 $0x200, s11  }
0x6e: {  	v22 =	vand.u32 $0x7F, v22;
	v4 =	vand.u32 $0xFFFFFC00, v4;
	v29 =	vshll.u32 v31, $0x3;
	v32 =	vld.idx.msk [tilespmem:v32+s17+$0x0], $0xffff;
	[tilespmem:s15+$0x8400] =	vst v11;
	s15 =	sor.u32 $0x280, s11  }
0x6f: {  	s24 =	sor.u32 s0, s4;
	s0 =	smov.u32 s22;
	v4 =	vor.u32 v22, v4;
	v11 =	vand.u32 $0x7F, v17;
	v17 =	vshll.u32 v17, $0x3;
	v28 =	vld.idx.msk [tilespmem:v9+s17+$0x0], $0xffff;
	[tilespmem:s15+$0x8400] =	vst v8  }
0x70: {  	v9 =	vand.u32 $0x7F, v31;
	v8 =	vor.u32 $0x200, v4;
	v17 =	vand.u32 $0xFFFFFC00, v17;
	v31 =	vld.idx.msk [tilespmem:v33+s17+$0x0], $0xffff;
	[tilespmem:s24+$0x0] =	vst v10  }
0x71: {  	s15 =	sor.u32 s21, s4;
	s21 =	smov.u32 s14;
	v33 =	vor.u32 $0x80, v4;
	v10 =	vand.u32 $0xFFFFFC00, v29;
	v35 =	vor.u32 v11, v17;
	v36 =	vld.idx.msk [tilespmem:v12+s17+$0x0], $0xffff;
	[tilespmem:s24+$0x100] =	vst v21  }
0x72: {  	v12 =	vor.u32 $0x280, v4;
	v11 =	vld [tilespmem:s8+$0x0];
	v29 =	vor.u32 $0x80, v35;
	v21 =	vor.u32 $0x280, v35;
	[tilespmem:s15+$0x180] =	vst v19  }
0x73: {  	s4 =	sor.u32 s7, s4;
	s7 =	smov.u32 s13;
	v9 =	vor.u32 v9, v10;
	v10 =	vor.u32 $0x100, v35;
	v19 =	vor.u32 $0x200, v35;
	v20 =	vld.idx.msk [tilespmem:v20+s17+$0x0], $0xffff;
	[tilespmem:s15+$0x100] =	vst v13  }
0x74: {  	v30 =	vor.u32 $0x180, v35;
	v13 =	vor.u32 $0x380, v9;
	v37 =	vld.idx.msk [tilespmem:v4+s17+$0x0], $0xffff;
	[tilespmem:s4+$0x0] =	vst v23  }
0x75: {  	v38 =	vor.u32 $0x100, v4;
	v39 =	vld.idx.msk [tilespmem:v8+s17+$0x0], $0xffff;
	[tilespmem:s4+$0x100] =	vst v24  }
0x76: {  	v40 =	vor.u32 $0x300, v4;
	v24 =	vor.u32 $0x180, v4;
	v17 =	vld.idx.msk [tilespmem:v35+s17+$0x0], $0xffff;
	[tilespmem:s24+$0x80] =	vst v18  }
0x77: {  	v41 =	vor.u32 $0x80, v9;
	v18 =	vshll.u32 v11, $0x3;
	v8 =	vld.idx.msk [tilespmem:v21+s17+$0x0], $0xffff;
	[tilespmem:s4+$0x80] =	vst v26  }
0x78: {  	v21 =	vand.u32 $0x7F, v11;
	v18 =	vand.u32 $0xFFFFFC00, v18;
	v11 =	vld.idx.msk [tilespmem:v19+s17+$0x0], $0xffff;
	[tilespmem:s24+$0x180] =	vst v34  }
0x79: {  	v26 =	vor.u32 $0x380, v35;
	v23 =	vor.u32 v21, v18;
	v22 =	vld.idx.msk [tilespmem:v10+s17+$0x0], $0xffff;
	v18 =	vor.u32 $0x300, v35;
	[tilespmem:s4+$0x180] =	vst v20  }
0x7a: {  	s4 =	sor.u32 $0x200, s12;
	v34 =	vor.u32 $0x80, v23;
	v20 =	vor.u32 $0x180, v23;
	v35 =	vor.u32 $0x380, v23;
	v10 =	vld.idx.msk [tilespmem:v9+s17+$0x0], $0xffff;
	[tilespmem:s15+$0x80] =	vst v5  }
0x7b: {  	v42 =	vor.u32 $0x100, v23;
	v43 =	vor.u32 $0x200, v23;
	v5 =	vld.idx.msk [tilespmem:v33+s17+$0x0], $0xffff;
	[tilespmem:s4+$0x8400] =	vst v14;
	s4 =	sor.u32 $0x280, s12  }
0x7c: {  	v33 =	vld.idx.msk [tilespmem:v40+s17+$0x0], $0xffff;
	[tilespmem:s4+$0x8400] =	vst v15;
	s4 =	sor.u32 $0x300, s12  }
0x7d: {  	v21 =	vld.idx.msk [tilespmem:v13+s17+$0x0], $0xffff;
	[tilespmem:s4+$0x8400] =	vst v16  }
0x7e: {  	s4 =	sor.u32 $0x200, s30;
	v13 =	vld.idx.msk [tilespmem:v38+s17+$0x0], $0xffff;
	[tilespmem:s15+$0x0] =	vst v2;
	v2 =	vmov v37  }
0x7f: {  	v15 =	vor.u32 $0x280, v23;
	s12 =	sor.u32 $0x200, s28;
	v19 =	vld.idx.msk [tilespmem:v24+s17+$0x0], $0xffff;
	[tilespmem:s4+$0x8400] =	vst v27  }
0x80: {  	v16 =	vor.u32 $0x300, v23;
	s4 =	sor.u32 $0x280, s30;
	v24 =	vld.idx.msk [tilespmem:v18+s17+$0x0], $0xffff;
	[tilespmem:s12+$0x8400] =	vst v1;
	v1 =	vmov v39  }
0x81: {  	s12 =	sor.u32 $0x280, s28;
	v26 =	vld.idx.msk [tilespmem:v26+s17+$0x0], $0xffff;
	[tilespmem:s4+$0x8400] =	vst v32  }
0x82: {  	s4 =	sor.u32 s1, s16;
	s1 =	smov.u32 s23;
	v18 =	vld.idx.msk [tilespmem:v41+s17+$0x0], $0xffff;
	[tilespmem:s12+$0x8400] =	vst v36;
	s12 =	sor.u32 $0x300, s11  }
0x83: {  	s16 =	smov.u32 s25;
	s4 =	sor.u32 $0x380, s4;
	v27 =	vld.idx.msk [tilespmem:v35+s17+$0x0], $0xffff;
	[tilespmem:s12+$0x8400] =	vst v7  }
.Ltmp0:
0x84: {  	v14 =	vld.idx.msk [tilespmem:v43+s17+$0x0], $0xffff;
	[tilespmem:s4+$0x8400] =	vst v25;
	s4 =	sor.u32 $0x380, s11;
	(pc) =	sbr.rel @p3 .LBB2_3-.Ltmp0, $4  }
0x85: {  	s11 =	sor.u32 $0x300, s28;
	v15 =	vld.idx.msk [tilespmem:v15+s17+$0x0], $0xffff;
	[tilespmem:s4+$0x8400] =	vst v6  }
0x86: {  	s12 =	sor.u32 $0x300, s30;
	s4 =	sor.u32 $0x380, s28;
	v7 =	vmov v24;
	v16 =	vld.idx.msk [tilespmem:v16+s17+$0x0], $0xffff;
	[tilespmem:s11+$0x8400] =	vst v3;
	s11 =	sor.u32 $0x380, s30;
	v3 =	vmov v33  }
0x87: {  	p2 =	por !p2, !p2;
	s13 =	sand.u32 $0x1C00, s23;
	s8 =	sadd.s32 $0x40, s8;
	v6 =	vmov v26;
	v24 =	vld.idx.msk [tilespmem:v42+s17+$0x0], $0xffff;
	[tilespmem:s4+$0x8400] =	vst v31  }
0x88: {  	s23 =	sadd.s32 $0x200, s23;
	s25 =	sadd.s32 $0x40, s25;
	s4 =	sadd.s32 $0x8400, s13;
	v26 =	vld.idx.msk [tilespmem:v34+s17+$0x0], $0xffff;
	[tilespmem:s12+$0x8400] =	vst v28  }
0x89: {  	_ =	sdelay $0x2  }
0x8a: {  	v25 =	vor.u32 $0x100, v9  }
0x8b: {  	v28 =	vld.idx.msk [tilespmem:v30+s17+$0x0], $0xffff;
	v30 =	vor.u32 $0x180, v9  }
0x8c: {  	v31 =	vor.u32 $0x200, v9  }
0x8d: {  	v29 =	vld.idx.msk [tilespmem:v29+s17+$0x0], $0xffff;
	[tilespmem:s11+$0x8400] =	vst v0;
	v0 =	vor.u32 $0x280, v9  }
0x8e: {  	s8 =	sor.u32 s31, s4;
	v23 =	vld.idx.msk [tilespmem:v23+s17+$0x0], $0xffff;
	v9 =	vor.u32 $0x300, v9  }
0x8f: {  	[tilespmem:s8+$0x0] =	vst v17;
	v17 =	vld.idx.msk [tilespmem:v25+s17+$0x0], $0xffff  }
0x90: {  	[tilespmem:s8+$0x100] =	vst v22;
	v22 =	vld.idx.msk [tilespmem:v30+s17+$0x0], $0xffff  }
0x91: {  	[tilespmem:s8+$0x180] =	vst v28;
	v25 =	vld.idx.msk [tilespmem:v31+s17+$0x0], $0xffff  }
0x92: {  	s3 =	simm.s32 $0x1;
	s0 =	sor.u32 s0, s4;
	[tilespmem:s8+$0x80] =	vst v29;
	v0 =	vld.idx.msk [tilespmem:v0+s17+$0x0], $0xffff  }
0x93: {  	s14 =	sor.u32 s7, s4;
	s3 =	simm.s32 @!p0 $0x0;
	v9 =	vld.idx.msk [tilespmem:v9+s17+$0x0], $0xffff;
	[tilespmem:s0+$0x0] =	vst v10  }
0x94: {  	v4 =	vor.u32 $0x380, v4;
	s3 =	sshll.u32 s3, $0x6;
	v10 =	vld.idx.msk [tilespmem:v20+s17+$0x0], $0xffff;
	[tilespmem:s14+$0x0] =	vst v23  }
0x95: {  	s3 =	sadd.s32 s3, s1;
	[tilespmem:s14+$0x100] =	vst v24  }
0x96: {  	s11 =	sadd.s32 $0x30, s3;
	[tilespmem:s0+$0x80] =	vst v18  }
0x97: {  	s30 =	sor.u32 $0x200, s11;
	[tilespmem:s14+$0x80] =	vst v26  }
0x98: {  	s12 =	sor.u32 $0x280, s11;
	[tilespmem:s30+$0x8400] =	vst v11  }
0x99: {  	s13 =	sor.u32 s21, s4;
	v4 =	vld.idx.msk [tilespmem:v4+s17+$0x0], $0xffff;
	[tilespmem:s12+$0x8400] =	vst v8  }
0x9a: {  	v8 =	vld.idx.msk [tilespmem:v12+s17+$0x0], $0xffff;
	[tilespmem:s13+$0x180] =	vst v19  }
0x9b: {  	[tilespmem:s13+$0x100] =	vst v13  }
0x9c: {  	s24 =	sadd.s32 $0x10, s3;
	[tilespmem:s13+$0x80] =	vst v5  }
0x9d: {  	s28 =	sor.u32 $0x200, s24;
	[tilespmem:s13+$0x0] =	vst v2  }
0x9e: {  	s7 =	sor.u32 $0x300, s11;
	[tilespmem:s28+$0x8400] =	vst v1  }
0x9f: {  	s8 =	sor.u32 $0x380, s11;
	[tilespmem:s7+$0x8400] =	vst v7  }
0xa0: {  	[tilespmem:s8+$0x8400] =	vst v6  }
0xa1: {  	[tilespmem:s0+$0x100] =	vst v17  }
0xa2: {  	[tilespmem:s0+$0x180] =	vst v22  }
0xa3: {  	s15 =	sor.u32 $0x200, s3;
	s23 =	sadd.s32 $0x20, s3;
	[tilespmem:s14+$0x180] =	vst v10  }
0xa4: {  	s25 =	sor.u32 $0x200, s23;
	[tilespmem:s15+$0x8400] =	vst v14  }
0xa5: {  	s21 =	sor.u32 $0x280, s3;
	[tilespmem:s25+$0x8400] =	vst v25  }
0xa6: {  	s29 =	sor.u32 $0x280, s23;
	[tilespmem:s21+$0x8400] =	vst v15  }
0xa7: {  	s30 =	sor.u32 $0x280, s24;
	[tilespmem:s29+$0x8400] =	vst v0  }
0xa8: {  	s22 =	sor.u32 $0x300, s3;
	[tilespmem:s30+$0x8400] =	vst v8  }
0xa9: {  	s3 =	sor.u32 s1, s16;
	s11 =	sor.u32 $0x300, s24;
	[tilespmem:s22+$0x8400] =	vst v16  }
0xaa: {  	s1 =	sor.u32 $0x380, s3;
	[tilespmem:s11+$0x8400] =	vst v3  }
0xab: {  	s0 =	sor.u32 $0x380, s24;
	[tilespmem:s1+$0x8400] =	vst v27  }
0xac: {  	[tilespmem:s0+$0x8400] =	vst v4  }
0xad: {  	p0 =	seq.s32 s9, $0xF;
	s12 =	sor.u32 $0x300, s23;
	s0 =	rddreg [dreg:$0x8]  }
0xae: {  	s13 =	sor.u32 $0x380, s23;
	[tilespmem:s12+$0x8400] =	vst v9;
	s0 =	sadd.s32 @!p0 s10, s0  }
0xaf: {  	s3 =	simm.s32 @!p0 $0x400;
	s14 =	sshll.u32 s9, $0xC;
	[tilespmem:s13+$0x8400] =	vst v21;
	s0 =	sshll.u32 @!p0 s0, $0x7  }
0xb0: {  	s1 =	simm.s32 @!p0 $0x0;
	s15 =	rddreg [dreg:$0x9];
	s0 =	sadd.s32 @!p0 s2, s0  }
0xb1: {  	[tilespmem:s3], [sflag:$0x1] =	stream.linear.gather @!p0 [hbm4b:s0+s1], $0x2000, $0x38;
	[tilespmem:$0x10400] =	vst v63  }
0xb2: {  	s16 =	simm.s32 $0x8400;
	s21 =	simm.s32 $0x2;
	s0 =	sadd.s32 s14, s15  }
0xb3: {  	[hbm4b:s0+s5] =	stream.linear.scatter [tilespmem:s16], [sflag:$0x5], $0x2000, $0x38;
	[tilespmem:$0x10400] =	vst v63  }
0xb4: {  	_ =	swait.ge [sflag:s21], $0x2000  }
0xb5: {  	[sflag:s21] =	ssyncset.done $0x0  }
0xb6: {  	s1 =	simm.s32 $0x0;
	s0 =	simm.s32 @!p1 $0x6;
	[sflag:s21] =	ssyncadd.s32 $0xFFFFE000  }
0xb7: {  	s3 =	sand.u32 $0x40, s1;
	_ =	swait.ge @!p1 [sflag:s0], $0x2000  }
0xb8: {  	s22 =	sand.u32 $0x380, s1;
	s4 =	sor.u32 $0x10, s3;
	[sflag:s0] =	ssyncset.done @!p1 $0x0  }
0xb9: {  	s28 =	sor.u32 $0x20, s3;
	s23 =	sor.u32 s4, s22;
	[sflag:s0] =	ssyncadd.s32 @!p1 $0xFFFFE000  }
0xba: {  	s29 =	sor.u32 s28, s22;
	v0 =	vld [tilespmem:s23+$0x0]  }
0xbb: {  	v3 =	vld [tilespmem:s29+$0x0];
	_ =	sdelay $0x3  }
0xbc: {  	v2 =	vshll.u32 v0, $0x3  }
0xbd: {  	s24 =	sor.u32 $0x30, s3;
	s16 =	simm.s32 $0x40;
	v0 =	vand.u32 $0x7F, v0;
	v5 =	vshll.u32 v3, $0x3;
	v2 =	vand.u32 $0xFFFFFC00, v2  }
0xbe: {  	s25 =	sor.u32 s24, s22;
	s7 =	sand.u32 $0x40, s16;
	v3 =	vand.u32 $0x7F, v3;
	v5 =	vand.u32 $0xFFFFFC00, v5;
	v2 =	vor.u32 v0, v2  }
0xbf: {  	s12 =	sand.u32 $0x380, s16;
	s21 =	sor.u32 $0x10, s7;
	v1 =	vld [tilespmem:s25+$0x0];
	v3 =	vor.u32 v3, v5  }
0xc0: {  	s31 =	sor.u32 $0x20, s7;
	s30 =	sor.u32 s21, s12;
	v8 =	vld [tilespmem:s1+$0x0];
	v4 =	vor.u32 $0x200, v2  }
0xc1: {  	s14 =	sor.u32 s31, s12;
	v28 =	vld [tilespmem:s30+$0x0];
	v14 =	vor.u32 $0x100, v2  }
0xc2: {  	v30 =	vld [tilespmem:s14+$0x0];
	v15 =	vor.u32 $0x180, v2  }
0xc3: {  	v26 =	vor.u32 $0x100, v3;
	v7 =	vld.idx.msk [tilespmem:v2+s18+$0x0], $0xffff  }
0xc4: {  	v27 =	vor.u32 $0x180, v3;
	v17 =	vld.idx.msk [tilespmem:v3+s18+$0x0], $0xffff  }
0xc5: {  	v0 =	vshll.u32 v1, $0x3;
	v29 =	vor.u32 $0x200, v3;
	v6 =	vld.idx.msk [tilespmem:v4+s18+$0x0], $0xffff  }
0xc6: {  	v1 =	vand.u32 $0x7F, v1;
	v0 =	vand.u32 $0xFFFFFC00, v0;
	v4 =	vor.u32 $0x80, v2;
	v20 =	vld.idx.msk [tilespmem:v14+s18+$0x0], $0xffff  }
0xc7: {  	v1 =	vor.u32 v1, v0;
	v22 =	vld.idx.msk [tilespmem:v15+s18+$0x0], $0xffff  }
0xc8: {  	v0 =	vor.u32 $0x280, v1;
	v26 =	vld.idx.msk [tilespmem:v26+s18+$0x0], $0xffff  }
0xc9: {  	v9 =	vor.u32 $0x200, v1;
	v27 =	vld.idx.msk [tilespmem:v27+s18+$0x0], $0xffff  }
0xca: {  	v12 =	vshll.u32 v8, $0x3;
	v10 =	vor.u32 $0x100, v1;
	v29 =	vld.idx.msk [tilespmem:v29+s18+$0x0], $0xffff  }
0xcb: {  	v11 =	vor.u32 $0x300, v2;
	v18 =	vld.idx.msk [tilespmem:v4+s18+$0x0], $0xffff;
	v4 =	vand.u32 $0x7F, v8;
	v8 =	vand.u32 $0xFFFFFC00, v12  }
0xcc: {  	v16 =	vor.u32 $0x300, v1;
	v5 =	vld.idx.msk [tilespmem:v1+s18+$0x0], $0xffff;
	v4 =	vor.u32 v4, v8  }
0xcd: {  	v13 =	vld.idx.msk [tilespmem:v0+s18+$0x0], $0xffff;
	v8 =	vor.u32 $0x380, v4  }
0xce: {  	v19 =	vor.u32 $0x380, v1;
	v9 =	vld.idx.msk [tilespmem:v9+s18+$0x0], $0xffff  }
0xcf: {  	v0 =	vor.u32 $0x380, v3;
	v10 =	vld.idx.msk [tilespmem:v10+s18+$0x0], $0xffff  }
0xd0: {  	v12 =	vld.idx.msk [tilespmem:v11+s18+$0x0], $0xffff;
	v11 =	vor.u32 $0x80, v3  }
0xd1: {  	v32 =	vor.u32 $0x280, v3;
	v14 =	vld.idx.msk [tilespmem:v16+s18+$0x0], $0xffff;
	v3 =	vor.u32 $0x300, v3  }
0xd2: {  	v15 =	vld.idx.msk [tilespmem:v8+s18+$0x0], $0xffff;
	v8 =	vor.u32 $0x80, v1;
	v1 =	vor.u32 $0x180, v1  }
0xd3: {  	v16 =	vld.idx.msk [tilespmem:v19+s18+$0x0], $0xffff  }
0xd4: {  	v0 =	vld.idx.msk [tilespmem:v0+s18+$0x0], $0xffff  }
0xd5: {  	v21 =	vor.u32 $0x200, v4;
	v11 =	vld.idx.msk [tilespmem:v11+s18+$0x0], $0xffff  }
0xd6: {  	v63 =	vld.idx.msk [tilespmem:v3+s18+$0x0], $0xffff  }
0xd7: {  	s13 =	sand.u32 $0x1C00, s1;
	v23 =	vor.u32 $0x280, v4;
	v1 =	vld.idx.msk [tilespmem:v1+s18+$0x0], $0xffff  }
0xd8: {  	s13 =	sadd.s32 $0xA400, s13;
	v24 =	vor.u32 $0x300, v4;
	v8 =	vld.idx.msk [tilespmem:v8+s18+$0x0], $0xffff  }
0xd9: {  	s15 =	sor.u32 s24, s13;
	s0 =	sor.u32 $0x30, s7;
	v31 =	vld.idx.msk [tilespmem:v4+s18+$0x0], $0xffff  }
0xda: {  	s12 =	sor.u32 s0, s12;
	v21 =	vld.idx.msk [tilespmem:v21+s18+$0x0], $0xffff;
	[tilespmem:s15+$0x0] =	vst v5;
	v5 =	vor.u32 $0x380, v2  }
0xdb: {  	[tilespmem:s15+$0x100] =	vst v10;
	v10 =	vld [tilespmem:s12+$0x0];
	v2 =	vor.u32 $0x280, v2  }
0xdc: {  	p2 =	por $0x0, $0x0;
	v19 =	vor.u32 $0x100, v4;
	v23 =	vld.idx.msk [tilespmem:v23+s18+$0x0], $0xffff;
	[tilespmem:s15+$0x180] =	vst v1  }
0xdd: {  	p3 =	por p2, p2;
	s8 =	sor.u32 s28, s13;
	s14 =	simm.s32 $0x1;
	v25 =	vor.u32 $0x80, v4;
	v24 =	vld.idx.msk [tilespmem:v24+s18+$0x0], $0xffff;
	[tilespmem:s15+$0x80] =	vst v8  }
0xde: {  	s14 =	simm.s32 @!p3 $0x0;
	v1 =	vshll.u32 v28, $0x3;
	v8 =	vor.u32 $0x180, v4;
	v4 =	vand.u32 $0x7F, v28;
	v28 =	vld.idx.msk [tilespmem:v32+s18+$0x0], $0xffff;
	[tilespmem:s8+$0x0] =	vst v17  }
0xdf: {  	s4 =	sor.u32 s4, s13;
	s14 =	sshll.u32 s14, $0x6;
	v33 =	vld.idx.msk [tilespmem:v5+s18+$0x0], $0xffff;
	[tilespmem:s8+$0x100] =	vst v26;
	v1 =	vand.u32 $0xFFFFFC00, v1  }
0xe0: {  	s22 =	sadd.s32 $0x0, s14;
	v35 =	vld.idx.msk [tilespmem:v2+s18+$0x0], $0xffff;
	[tilespmem:s4+$0x180] =	vst v22;
	v4 =	vor.u32 v4, v1;
	v1 =	vshll.u32 v10, $0x3  }
0xe1: {  	s11 =	sadd.s32 $0x30, s22;
	v19 =	vld.idx.msk [tilespmem:v19+s18+$0x0], $0xffff;
	v3 =	vand.u32 $0x7F, v10;
	[tilespmem:s4+$0x100] =	vst v20;
	v10 =	vor.u32 $0x200, v4;
	v1 =	vand.u32 $0xFFFFFC00, v1  }
0xe2: {  	s23 =	sor.u32 $0x200, s11;
	v25 =	vld.idx.msk [tilespmem:v25+s18+$0x0], $0xffff;
	[tilespmem:s8+$0x80] =	vst v11;
	v34 =	vor.u32 v3, v1  }
0xe3: {  	s24 =	sor.u32 $0x280, s11;
	[tilespmem:s23+$0xA400] =	vst v9;
	v3 =	vld [tilespmem:s16+$0x0];
	v5 =	vor.u32 $0x280, v34  }
0xe4: {  	[tilespmem:s24+$0xA400] =	vst v13;
	v1 =	vshll.u32 v30, $0x3;
	v13 =	vor.u32 $0x200, v34;
	v26 =	vld.idx.msk [tilespmem:v8+s18+$0x0], $0xffff  }
0xe5: {  	s3 =	sor.u32 s3, s13;
	[tilespmem:s8+$0x180] =	vst v27;
	v8 =	vand.u32 $0x7F, v30;
	v1 =	vand.u32 $0xFFFFFC00, v1;
	v20 =	vor.u32 $0x100, v34;
	v2 =	vld.idx.msk [tilespmem:v4+s18+$0x0], $0xffff  }
0xe6: {  	[tilespmem:s3+$0x100] =	vst v19;
	v19 =	vor.u32 $0x80, v4;
	v9 =	vor.u32 v8, v1;
	v1 =	vld.idx.msk [tilespmem:v10+s18+$0x0], $0xffff  }
0xe7: {  	s12 =	sadd.s32 $0x10, s22;
	[tilespmem:s4+$0x80] =	vst v18;
	v30 =	vor.u32 $0x300, v4;
	v17 =	vld.idx.msk [tilespmem:v34+s18+$0x0], $0xffff  }
0xe8: {  	s13 =	sor.u32 $0x200, s12;
	[tilespmem:s4+$0x0] =	vst v7;
	v27 =	vor.u32 $0x380, v34;
	v8 =	vld.idx.msk [tilespmem:v5+s18+$0x0], $0xffff  }
0xe9: {  	[tilespmem:s13+$0xA400] =	vst v6;
	v11 =	vld.idx.msk [tilespmem:v13+s18+$0x0], $0xffff  }
0xea: {  	[tilespmem:s3+$0x80] =	vst v25;
	v25 =	vor.u32 $0x380, v9;
	v22 =	vld.idx.msk [tilespmem:v20+s18+$0x0], $0xffff  }
0xeb: {  	[tilespmem:s3+$0x0] =	vst v31;
	v13 =	vor.u32 $0x100, v4;
	v5 =	vld.idx.msk [tilespmem:v19+s18+$0x0], $0xffff  }
0xec: {  	s25 =	sor.u32 $0x200, s22;
	v18 =	vshll.u32 v3, $0x3;
	[tilespmem:s3+$0x180] =	vst v26;
	v20 =	vor.u32 $0x180, v4;
	v19 =	vand.u32 $0x7F, v3;
	v3 =	vld.idx.msk [tilespmem:v30+s18+$0x0], $0xffff  }
0xed: {  	s28 =	sor.u32 $0x280, s22;
	v26 =	vor.u32 $0x300, v34;
	v18 =	vand.u32 $0xFFFFFC00, v18;
	v6 =	vld.idx.msk [tilespmem:v27+s18+$0x0], $0xffff;
	[tilespmem:s25+$0xA400] =	vst v21  }
0xee: {  	s29 =	sor.u32 $0x300, s22;
	s30 =	sadd.s32 $0x20, s22;
	v30 =	vor.u32 $0x80, v9;
	v10 =	vld.idx.msk [tilespmem:v9+s18+$0x0], $0xffff;
	[tilespmem:s28+$0xA400] =	vst v23;
	v23 =	vor.u32 v19, v18  }
0xef: {  	s4 =	sor.u32 $0x200, s30;
	v21 =	vld.idx.msk [tilespmem:v25+s18+$0x0], $0xffff;
	[tilespmem:s29+$0xA400] =	vst v24;
	v24 =	vor.u32 $0x380, v23  }
0xf0: {  	s14 =	sor.u32 $0x280, s30;
	[tilespmem:s4+$0xA400] =	vst v29;
	v25 =	vor.u32 $0x200, v23;
	v13 =	vld.idx.msk [tilespmem:v13+s18+$0x0], $0xffff  }
0xf1: {  	[tilespmem:s14+$0xA400] =	vst v28;
	v28 =	vor.u32 $0x100, v23;
	v19 =	vld.idx.msk [tilespmem:v20+s18+$0x0], $0xffff  }
0xf2: {  	s22 =	sor.u32 $0x300, s11;
	v20 =	vor.u32 $0x280, v23;
	v7 =	vld.idx.msk [tilespmem:v26+s18+$0x0], $0xffff  }
0xf3: {  	s24 =	sor.u32 $0x380, s11;
	[tilespmem:s22+$0xA400] =	vst v14;
	v26 =	vor.u32 $0x300, v23;
	v18 =	vld.idx.msk [tilespmem:v30+s18+$0x0], $0xffff  }
0xf4: {  	p6 =	por !p2, !p2;
	s15 =	sor.u32 $0x280, s12;
	[tilespmem:s24+$0xA400] =	vst v16;
	v31 =	vor.u32 $0x80, v23;
	v27 =	vld.idx.msk [tilespmem:v24+s18+$0x0], $0xffff  }
0xf5: {  	p2 =	por p6, p6;
	s1 =	sor.u32 s1, s1;
	[tilespmem:s15+$0xA400] =	vst v35;
	v29 =	vor.u32 $0x80, v34;
	s25 =	sor.u32 $0x300, s12;
	v14 =	vld.idx.msk [tilespmem:v25+s18+$0x0], $0xffff  }
0xf6: {  	p3 =	por !p6, !p6;
	s8 =	simm.s32 $0x80;
	s23 =	sor.u32 $0x380, s1;
	[tilespmem:s25+$0xA400] =	vst v12;
	v30 =	vor.u32 $0x180, v34;
	v24 =	vld.idx.msk [tilespmem:v28+s18+$0x0], $0xffff  }
0xf7: {  	s1 =	simm.s32 $0x200;
	s11 =	sor.u32 $0x380, s30;
	s28 =	sor.u32 $0x380, s12;
	[tilespmem:s23+$0xA400] =	vst v15;
	v15 =	vld.idx.msk [tilespmem:v20+s18+$0x0], $0xffff  }
0xf8: {  	s3 =	simm.s32 $0x4;
	s29 =	sor.u32 $0x300, s30;
	s30 =	sand.u32 $0x1C00, s1;
	[tilespmem:s28+$0xA400] =	vst v33;
	v16 =	vld.idx.msk [tilespmem:v26+s18+$0x0], $0xffff  }
0xf9: {  	v12 =	vor.u32 $0x280, v4;
	s25 =	simm.s32 $0x80;
	s4 =	sadd.s32 $0xA400, s30;
	s23 =	simm.s32 $0x400;
	[tilespmem:s29+$0xA400] =	vst v63;
	v20 =	vor.u32 $0x180, v23;
	v26 =	vld.idx.msk [tilespmem:v31+s18+$0x0], $0xffff  }
.LBB2_5:
0xfa: {  	s13 =	sand.u32 $0x40, s25;
	s3 =	sadd.s32 $0x4, s3;
	v28 =	vld.idx.msk [tilespmem:v29+s18+$0x0], $0xffff;
	s15 =	sor.u32 s0, s4;
	[tilespmem:s11+$0xA400] =	vst v0;
	v0 =	vmov v21;
	v25 =	vmov v27  }
0xfb: {  	s11 =	sand.u32 $0x380, s25;
	v21 =	vor.u32 $0x100, v9;
	s14 =	sor.u32 $0x10, s13;
	s22 =	sor.u32 $0x20, s13;
	v27 =	vld.idx.msk [tilespmem:v30+s18+$0x0], $0xffff  }
0xfc: {  	v29 =	vor.u32 $0x180, v9;
	s0 =	sor.u32 $0x30, s13;
	s12 =	sor.u32 s14, s11;
	s24 =	sor.u32 s22, s11;
	v23 =	vld.idx.msk [tilespmem:v23+s18+$0x0], $0xffff;
	[tilespmem:s15+$0x100] =	vst v22  }
0xfd: {  	p4 =	slt.u32 s3, $0x3C;
	v30 =	vor.u32 $0x200, v9;
	s11 =	sor.u32 s0, s11;
	v22 =	vld [tilespmem:s12+$0x0];
	s12 =	simm.s32 $0x1  }
0xfe: {  	v32 =	vor.u32 $0x280, v9;
	v31 =	vld [tilespmem:s24+$0x0];
	s12 =	simm.s32 @!p2 $0x0;
	[tilespmem:s15+$0x0] =	vst v17;
	p2 =	por p3, p3  }
0xff: {  	v9 =	vor.u32 $0x300, v9;
	v17 =	vld [tilespmem:s11+$0x0];
	s11 =	sshll.u32 s12, $0x6  }
0x100: {  	v33 =	vor.u32 $0x380, v4;
	s12 =	sadd.s32 s11, s1;
	v21 =	vld.idx.msk [tilespmem:v21+s18+$0x0], $0xffff  }
0x101: {  	s28 =	sadd.s32 $0x10, s12;
	v34 =	vld.idx.msk [tilespmem:v29+s18+$0x0], $0xffff;
	s30 =	sadd.s32 $0x20, s12;
	[tilespmem:s15+$0x180] =	vst v27;
	s11 =	sadd.s32 $0x30, s12  }
0x102: {  	v4 =	vshll.u32 v22, $0x3;
	v27 =	vld.idx.msk [tilespmem:v30+s18+$0x0], $0xffff;
	[tilespmem:s15+$0x80] =	vst v28;
	s15 =	sor.u32 $0x200, s11  }
0x103: {  	v22 =	vand.u32 $0x7F, v22;
	v4 =	vand.u32 $0xFFFFFC00, v4;
	v29 =	vshll.u32 v31, $0x3;
	v32 =	vld.idx.msk [tilespmem:v32+s18+$0x0], $0xffff;
	[tilespmem:s15+$0xA400] =	vst v11;
	s15 =	sor.u32 $0x280, s11  }
0x104: {  	s24 =	sor.u32 s31, s4;
	s31 =	smov.u32 s22;
	v4 =	vor.u32 v22, v4;
	v11 =	vand.u32 $0x7F, v17;
	v17 =	vshll.u32 v17, $0x3;
	v28 =	vld.idx.msk [tilespmem:v9+s18+$0x0], $0xffff;
	[tilespmem:s15+$0xA400] =	vst v8  }
0x105: {  	v9 =	vand.u32 $0x7F, v31;
	v8 =	vor.u32 $0x200, v4;
	v17 =	vand.u32 $0xFFFFFC00, v17;
	v31 =	vld.idx.msk [tilespmem:v33+s18+$0x0], $0xffff;
	[tilespmem:s24+$0x0] =	vst v10  }
0x106: {  	s15 =	sor.u32 s21, s4;
	s21 =	smov.u32 s14;
	v33 =	vor.u32 $0x80, v4;
	v10 =	vand.u32 $0xFFFFFC00, v29;
	v35 =	vor.u32 v11, v17;
	v36 =	vld.idx.msk [tilespmem:v12+s18+$0x0], $0xffff;
	[tilespmem:s24+$0x100] =	vst v21  }
0x107: {  	v12 =	vor.u32 $0x280, v4;
	v11 =	vld [tilespmem:s8+$0x0];
	v29 =	vor.u32 $0x80, v35;
	v21 =	vor.u32 $0x280, v35;
	[tilespmem:s15+$0x180] =	vst v19  }
0x108: {  	s4 =	sor.u32 s7, s4;
	s7 =	smov.u32 s13;
	v9 =	vor.u32 v9, v10;
	v10 =	vor.u32 $0x100, v35;
	v19 =	vor.u32 $0x200, v35;
	v20 =	vld.idx.msk [tilespmem:v20+s18+$0x0], $0xffff;
	[tilespmem:s15+$0x100] =	vst v13  }
0x109: {  	v30 =	vor.u32 $0x180, v35;
	v13 =	vor.u32 $0x380, v9;
	v37 =	vld.idx.msk [tilespmem:v4+s18+$0x0], $0xffff;
	[tilespmem:s4+$0x0] =	vst v23  }
0x10a: {  	v38 =	vor.u32 $0x100, v4;
	v39 =	vld.idx.msk [tilespmem:v8+s18+$0x0], $0xffff;
	[tilespmem:s4+$0x100] =	vst v24  }
0x10b: {  	v40 =	vor.u32 $0x300, v4;
	v24 =	vor.u32 $0x180, v4;
	v17 =	vld.idx.msk [tilespmem:v35+s18+$0x0], $0xffff;
	[tilespmem:s24+$0x80] =	vst v18  }
0x10c: {  	v41 =	vor.u32 $0x80, v9;
	v18 =	vshll.u32 v11, $0x3;
	v8 =	vld.idx.msk [tilespmem:v21+s18+$0x0], $0xffff;
	[tilespmem:s4+$0x80] =	vst v26  }
0x10d: {  	v21 =	vand.u32 $0x7F, v11;
	v18 =	vand.u32 $0xFFFFFC00, v18;
	v11 =	vld.idx.msk [tilespmem:v19+s18+$0x0], $0xffff;
	[tilespmem:s24+$0x180] =	vst v34  }
0x10e: {  	v26 =	vor.u32 $0x380, v35;
	v23 =	vor.u32 v21, v18;
	v22 =	vld.idx.msk [tilespmem:v10+s18+$0x0], $0xffff;
	v18 =	vor.u32 $0x300, v35;
	[tilespmem:s4+$0x180] =	vst v20  }
0x10f: {  	s4 =	sor.u32 $0x200, s12;
	v34 =	vor.u32 $0x80, v23;
	v20 =	vor.u32 $0x180, v23;
	v35 =	vor.u32 $0x380, v23;
	v10 =	vld.idx.msk [tilespmem:v9+s18+$0x0], $0xffff;
	[tilespmem:s15+$0x80] =	vst v5  }
0x110: {  	v42 =	vor.u32 $0x100, v23;
	v43 =	vor.u32 $0x200, v23;
	v5 =	vld.idx.msk [tilespmem:v33+s18+$0x0], $0xffff;
	[tilespmem:s4+$0xA400] =	vst v14;
	s4 =	sor.u32 $0x280, s12  }
0x111: {  	v33 =	vld.idx.msk [tilespmem:v40+s18+$0x0], $0xffff;
	[tilespmem:s4+$0xA400] =	vst v15;
	s4 =	sor.u32 $0x300, s12  }
0x112: {  	v21 =	vld.idx.msk [tilespmem:v13+s18+$0x0], $0xffff;
	[tilespmem:s4+$0xA400] =	vst v16  }
0x113: {  	s4 =	sor.u32 $0x200, s30;
	v13 =	vld.idx.msk [tilespmem:v38+s18+$0x0], $0xffff;
	[tilespmem:s15+$0x0] =	vst v2;
	v2 =	vmov v37  }
0x114: {  	v15 =	vor.u32 $0x280, v23;
	s12 =	sor.u32 $0x200, s28;
	v19 =	vld.idx.msk [tilespmem:v24+s18+$0x0], $0xffff;
	[tilespmem:s4+$0xA400] =	vst v27  }
0x115: {  	v16 =	vor.u32 $0x300, v23;
	s4 =	sor.u32 $0x280, s30;
	v24 =	vld.idx.msk [tilespmem:v18+s18+$0x0], $0xffff;
	[tilespmem:s12+$0xA400] =	vst v1;
	v1 =	vmov v39  }
0x116: {  	s12 =	sor.u32 $0x280, s28;
	v26 =	vld.idx.msk [tilespmem:v26+s18+$0x0], $0xffff;
	[tilespmem:s4+$0xA400] =	vst v32  }
0x117: {  	s4 =	sor.u32 s1, s16;
	s1 =	smov.u32 s23;
	v18 =	vld.idx.msk [tilespmem:v41+s18+$0x0], $0xffff;
	[tilespmem:s12+$0xA400] =	vst v36;
	s12 =	sor.u32 $0x300, s11  }
0x118: {  	s16 =	smov.u32 s25;
	s4 =	sor.u32 $0x380, s4;
	v27 =	vld.idx.msk [tilespmem:v35+s18+$0x0], $0xffff;
	[tilespmem:s12+$0xA400] =	vst v7  }
.Ltmp1:
0x119: {  	v14 =	vld.idx.msk [tilespmem:v43+s18+$0x0], $0xffff;
	[tilespmem:s4+$0xA400] =	vst v25;
	s4 =	sor.u32 $0x380, s11;
	(pc) =	sbr.rel @p4 .LBB2_5-.Ltmp1, $4  }
0x11a: {  	s11 =	sor.u32 $0x300, s28;
	v15 =	vld.idx.msk [tilespmem:v15+s18+$0x0], $0xffff;
	[tilespmem:s4+$0xA400] =	vst v6  }
0x11b: {  	s12 =	sor.u32 $0x300, s30;
	s4 =	sor.u32 $0x380, s28;
	v7 =	vmov v24;
	v16 =	vld.idx.msk [tilespmem:v16+s18+$0x0], $0xffff;
	[tilespmem:s11+$0xA400] =	vst v3;
	s11 =	sor.u32 $0x380, s30;
	v3 =	vmov v33  }
0x11c: {  	p3 =	por !p3, !p3;
	s13 =	sand.u32 $0x1C00, s23;
	s8 =	sadd.s32 $0x40, s8;
	v6 =	vmov v26;
	v24 =	vld.idx.msk [tilespmem:v42+s18+$0x0], $0xffff;
	[tilespmem:s4+$0xA400] =	vst v31  }
0x11d: {  	s23 =	sadd.s32 $0x200, s23;
	s25 =	sadd.s32 $0x40, s25;
	s4 =	sadd.s32 $0xA400, s13;
	v26 =	vld.idx.msk [tilespmem:v34+s18+$0x0], $0xffff;
	[tilespmem:s12+$0xA400] =	vst v28  }
0x11e: {  	_ =	sdelay $0x2  }
0x11f: {  	v25 =	vor.u32 $0x100, v9  }
0x120: {  	v28 =	vld.idx.msk [tilespmem:v30+s18+$0x0], $0xffff;
	v30 =	vor.u32 $0x180, v9  }
0x121: {  	v31 =	vor.u32 $0x200, v9  }
0x122: {  	v29 =	vld.idx.msk [tilespmem:v29+s18+$0x0], $0xffff;
	[tilespmem:s11+$0xA400] =	vst v0;
	v0 =	vor.u32 $0x280, v9  }
0x123: {  	s0 =	sor.u32 s0, s4;
	v23 =	vld.idx.msk [tilespmem:v23+s18+$0x0], $0xffff;
	v9 =	vor.u32 $0x300, v9  }
0x124: {  	[tilespmem:s0+$0x0] =	vst v17;
	v17 =	vld.idx.msk [tilespmem:v25+s18+$0x0], $0xffff  }
0x125: {  	[tilespmem:s0+$0x100] =	vst v22;
	v22 =	vld.idx.msk [tilespmem:v30+s18+$0x0], $0xffff  }
0x126: {  	[tilespmem:s0+$0x180] =	vst v28;
	v25 =	vld.idx.msk [tilespmem:v31+s18+$0x0], $0xffff  }
0x127: {  	s3 =	simm.s32 $0x1;
	s24 =	sor.u32 s31, s4;
	[tilespmem:s0+$0x80] =	vst v29;
	v0 =	vld.idx.msk [tilespmem:v0+s18+$0x0], $0xffff  }
0x128: {  	s30 =	sor.u32 s7, s4;
	s3 =	simm.s32 @!p2 $0x0;
	v9 =	vld.idx.msk [tilespmem:v9+s18+$0x0], $0xffff;
	[tilespmem:s24+$0x0] =	vst v10  }
0x129: {  	v4 =	vor.u32 $0x380, v4;
	s3 =	sshll.u32 s3, $0x6;
	v10 =	vld.idx.msk [tilespmem:v20+s18+$0x0], $0xffff;
	[tilespmem:s30+$0x0] =	vst v23  }
0x12a: {  	s3 =	sadd.s32 s3, s1;
	[tilespmem:s30+$0x100] =	vst v24  }
0x12b: {  	s8 =	sadd.s32 $0x30, s3;
	[tilespmem:s24+$0x80] =	vst v18  }
0x12c: {  	s22 =	sor.u32 $0x200, s8;
	[tilespmem:s30+$0x80] =	vst v26  }
0x12d: {  	s23 =	sor.u32 $0x280, s8;
	[tilespmem:s22+$0xA400] =	vst v11  }
0x12e: {  	s25 =	sor.u32 s21, s4;
	v4 =	vld.idx.msk [tilespmem:v4+s18+$0x0], $0xffff;
	[tilespmem:s23+$0xA400] =	vst v8  }
0x12f: {  	v8 =	vld.idx.msk [tilespmem:v12+s18+$0x0], $0xffff;
	[tilespmem:s25+$0x180] =	vst v19  }
0x130: {  	s7 =	sor.u32 $0x200, s3;
	s11 =	sor.u32 $0x280, s3;
	[tilespmem:s25+$0x100] =	vst v13  }
0x131: {  	s12 =	sor.u32 $0x300, s3;
	s13 =	sadd.s32 $0x20, s3;
	s3 =	sadd.s32 $0x10, s3;
	[tilespmem:s25+$0x80] =	vst v5  }
0x132: {  	s15 =	sor.u32 $0x200, s3;
	[tilespmem:s25+$0x0] =	vst v2  }
0x133: {  	[tilespmem:s15+$0xA400] =	vst v1  }
0x134: {  	[tilespmem:s24+$0x100] =	vst v17  }
0x135: {  	[tilespmem:s24+$0x180] =	vst v22  }
0x136: {  	[tilespmem:s30+$0x180] =	vst v10  }
0x137: {  	s14 =	sor.u32 $0x200, s13;
	[tilespmem:s7+$0xA400] =	vst v14  }
0x138: {  	s24 =	sor.u32 $0x300, s8;
	[tilespmem:s14+$0xA400] =	vst v25  }
0x139: {  	[tilespmem:s24+$0xA400] =	vst v7  }
0x13a: {  	s21 =	sor.u32 $0x280, s13;
	[tilespmem:s11+$0xA400] =	vst v15  }
0x13b: {  	s22 =	sor.u32 $0x280, s3;
	[tilespmem:s21+$0xA400] =	vst v0  }
0x13c: {  	s25 =	sor.u32 $0x380, s8;
	[tilespmem:s22+$0xA400] =	vst v8  }
0x13d: {  	[tilespmem:s25+$0xA400] =	vst v6  }
0x13e: {  	s23 =	sor.u32 s1, s16;
	s30 =	sor.u32 $0x300, s3;
	[tilespmem:s12+$0xA400] =	vst v16  }
0x13f: {  	s0 =	sor.u32 $0x380, s23;
	[tilespmem:s30+$0xA400] =	vst v3  }
0x140: {  	s3 =	sor.u32 $0x380, s3;
	[tilespmem:s0+$0xA400] =	vst v27  }
0x141: {  	[tilespmem:s3+$0xA400] =	vst v4  }
0x142: {  	s0 =	rddreg [dreg:$0xa]  }
0x143: {  	s4 =	sor.u32 $0x300, s13;
	s0 =	sadd.s32 @!p0 s10, s0  }
0x144: {  	s1 =	simm.s32 @!p0 $0x0;
	s8 =	sor.u32 $0x380, s13;
	[tilespmem:s4+$0xA400] =	vst v9;
	s0 =	sshll.u32 @!p0 s0, $0x7  }
0x145: {  	s11 =	sadd.s32 s10, s6;
	s3 =	simm.s32 @!p0 $0x2400;
	[tilespmem:s8+$0xA400] =	vst v21;
	s0 =	sadd.s32 @!p0 s2, s0  }
0x146: {  	[tilespmem:s3], [sflag:$0x2] =	stream.linear.gather @!p0 [hbm4b:s0+s1], $0x2000, $0x38;
	[tilespmem:$0x10400] =	vst v63  }
0x147: {  	s0 =	sshll.u32 s11, $0x7  }
0x148: {  	s16 =	sadd.s32 s26, s0  }
0x149: {  	s13 =	simm.s32 $0x3;
	s12 =	simm.s32 $0xA400;
	s0 =	sadd.s32 $0x400, s16  }
0x14a: {  	[hbm4b:s0+s5] =	stream.linear.scatter [tilespmem:s12], [sflag:$0x6], $0x2000, $0x38;
	[tilespmem:$0x10400] =	vst v63  }
0x14b: {  	_ =	swait.ge [sflag:s13], $0x2000  }
0x14c: {  	[sflag:s13] =	ssyncset.done $0x0  }
0x14d: {  	s3 =	simm.s32 $0x0;
	s0 =	simm.s32 @!p1 $0x7;
	[sflag:s13] =	ssyncadd.s32 $0xFFFFE000  }
0x14e: {  	s4 =	sand.u32 $0x40, s3;
	_ =	swait.ge @!p1 [sflag:s0], $0x2000  }
0x14f: {  	s14 =	sand.u32 $0x380, s3;
	s8 =	sor.u32 $0x10, s4;
	[sflag:s0] =	ssyncset.done @!p1 $0x0  }
0x150: {  	s11 =	sor.u32 $0x20, s4;
	s15 =	sor.u32 s8, s14;
	[sflag:s0] =	ssyncadd.s32 @!p1 $0xFFFFE000  }
0x151: {  	s22 =	sor.u32 s11, s14;
	v0 =	vld [tilespmem:s15+$0x0]  }
0x152: {  	v3 =	vld [tilespmem:s22+$0x0];
	_ =	sdelay $0x3  }
0x153: {  	s12 =	sor.u32 $0x30, s4;
	v2 =	vshll.u32 v0, $0x3  }
0x154: {  	s7 =	simm.s32 $0x40;
	s21 =	sor.u32 s12, s14;
	v0 =	vand.u32 $0x7F, v0;
	v5 =	vshll.u32 v3, $0x3;
	v2 =	vand.u32 $0xFFFFFC00, v2  }
0x155: {  	v1 =	vld [tilespmem:s21+$0x0];
	s21 =	sand.u32 $0x40, s7;
	v3 =	vand.u32 $0x7F, v3;
	v5 =	vand.u32 $0xFFFFFC00, v5;
	v2 =	vor.u32 v0, v2  }
0x156: {  	s13 =	sand.u32 $0x380, s7;
	s31 =	sor.u32 $0x10, s21;
	v3 =	vor.u32 v3, v5  }
0x157: {  	v8 =	vld [tilespmem:s3+$0x0];
	s0 =	sor.u32 $0x20, s21;
	s23 =	sor.u32 s31, s13;
	v4 =	vor.u32 $0x200, v2  }
0x158: {  	s15 =	sor.u32 s0, s13;
	v28 =	vld [tilespmem:s23+$0x0];
	v14 =	vor.u32 $0x100, v2  }
0x159: {  	v30 =	vld [tilespmem:s15+$0x0];
	v15 =	vor.u32 $0x180, v2  }
0x15a: {  	v26 =	vor.u32 $0x100, v3;
	v7 =	vld.idx.msk [tilespmem:v2+s19+$0x0], $0xffff  }
0x15b: {  	v27 =	vor.u32 $0x180, v3;
	v17 =	vld.idx.msk [tilespmem:v3+s19+$0x0], $0xffff  }
0x15c: {  	v0 =	vshll.u32 v1, $0x3;
	v29 =	vor.u32 $0x200, v3;
	v6 =	vld.idx.msk [tilespmem:v4+s19+$0x0], $0xffff  }
0x15d: {  	v1 =	vand.u32 $0x7F, v1;
	v0 =	vand.u32 $0xFFFFFC00, v0;
	v4 =	vor.u32 $0x80, v2;
	v20 =	vld.idx.msk [tilespmem:v14+s19+$0x0], $0xffff  }
0x15e: {  	v1 =	vor.u32 v1, v0;
	v22 =	vld.idx.msk [tilespmem:v15+s19+$0x0], $0xffff  }
0x15f: {  	v0 =	vor.u32 $0x280, v1;
	v26 =	vld.idx.msk [tilespmem:v26+s19+$0x0], $0xffff  }
0x160: {  	v9 =	vor.u32 $0x200, v1;
	v27 =	vld.idx.msk [tilespmem:v27+s19+$0x0], $0xffff  }
0x161: {  	v12 =	vshll.u32 v8, $0x3;
	v10 =	vor.u32 $0x100, v1;
	v29 =	vld.idx.msk [tilespmem:v29+s19+$0x0], $0xffff  }
0x162: {  	v11 =	vor.u32 $0x300, v2;
	v18 =	vld.idx.msk [tilespmem:v4+s19+$0x0], $0xffff;
	v4 =	vand.u32 $0x7F, v8;
	v8 =	vand.u32 $0xFFFFFC00, v12  }
0x163: {  	v16 =	vor.u32 $0x300, v1;
	v5 =	vld.idx.msk [tilespmem:v1+s19+$0x0], $0xffff;
	v4 =	vor.u32 v4, v8  }
0x164: {  	v13 =	vld.idx.msk [tilespmem:v0+s19+$0x0], $0xffff;
	v8 =	vor.u32 $0x380, v4  }
0x165: {  	v19 =	vor.u32 $0x380, v1;
	v9 =	vld.idx.msk [tilespmem:v9+s19+$0x0], $0xffff  }
0x166: {  	v0 =	vor.u32 $0x380, v3;
	v10 =	vld.idx.msk [tilespmem:v10+s19+$0x0], $0xffff  }
0x167: {  	v12 =	vld.idx.msk [tilespmem:v11+s19+$0x0], $0xffff;
	v11 =	vor.u32 $0x80, v3  }
0x168: {  	v32 =	vor.u32 $0x280, v3;
	v14 =	vld.idx.msk [tilespmem:v16+s19+$0x0], $0xffff;
	v3 =	vor.u32 $0x300, v3  }
0x169: {  	v15 =	vld.idx.msk [tilespmem:v8+s19+$0x0], $0xffff;
	v8 =	vor.u32 $0x80, v1;
	v1 =	vor.u32 $0x180, v1  }
0x16a: {  	v16 =	vld.idx.msk [tilespmem:v19+s19+$0x0], $0xffff  }
0x16b: {  	v0 =	vld.idx.msk [tilespmem:v0+s19+$0x0], $0xffff  }
0x16c: {  	v21 =	vor.u32 $0x200, v4;
	v11 =	vld.idx.msk [tilespmem:v11+s19+$0x0], $0xffff  }
0x16d: {  	v63 =	vld.idx.msk [tilespmem:v3+s19+$0x0], $0xffff  }
0x16e: {  	s14 =	sand.u32 $0x1C00, s3;
	v23 =	vor.u32 $0x280, v4;
	v1 =	vld.idx.msk [tilespmem:v1+s19+$0x0], $0xffff  }
0x16f: {  	s14 =	sadd.s32 $0xC400, s14;
	v24 =	vor.u32 $0x300, v4;
	v8 =	vld.idx.msk [tilespmem:v8+s19+$0x0], $0xffff  }
0x170: {  	s22 =	sor.u32 s12, s14;
	s1 =	sor.u32 $0x30, s21;
	v31 =	vld.idx.msk [tilespmem:v4+s19+$0x0], $0xffff  }
0x171: {  	s24 =	sor.u32 s1, s13;
	v21 =	vld.idx.msk [tilespmem:v21+s19+$0x0], $0xffff;
	[tilespmem:s22+$0x0] =	vst v5;
	v5 =	vor.u32 $0x380, v2  }
0x172: {  	[tilespmem:s22+$0x100] =	vst v10;
	v10 =	vld [tilespmem:s24+$0x0];
	v2 =	vor.u32 $0x280, v2  }
0x173: {  	p5 =	por $0x0, $0x0;
	v19 =	vor.u32 $0x100, v4;
	v23 =	vld.idx.msk [tilespmem:v23+s19+$0x0], $0xffff;
	[tilespmem:s22+$0x180] =	vst v1  }
0x174: {  	p3 =	por p5, p5;
	s11 =	sor.u32 s11, s14;
	s15 =	simm.s32 $0x1;
	v25 =	vor.u32 $0x80, v4;
	v24 =	vld.idx.msk [tilespmem:v24+s19+$0x0], $0xffff;
	[tilespmem:s22+$0x80] =	vst v8  }
0x175: {  	s15 =	simm.s32 @!p3 $0x0;
	v1 =	vshll.u32 v28, $0x3;
	v8 =	vor.u32 $0x180, v4;
	v4 =	vand.u32 $0x7F, v28;
	v28 =	vld.idx.msk [tilespmem:v32+s19+$0x0], $0xffff;
	[tilespmem:s11+$0x0] =	vst v17  }
0x176: {  	s8 =	sor.u32 s8, s14;
	s25 =	sshll.u32 s15, $0x6;
	v33 =	vld.idx.msk [tilespmem:v5+s19+$0x0], $0xffff;
	[tilespmem:s11+$0x100] =	vst v26;
	v1 =	vand.u32 $0xFFFFFC00, v1  }
0x177: {  	s29 =	smov.u32 s26;
	s26 =	sadd.s32 $0x0, s25;
	v35 =	vld.idx.msk [tilespmem:v2+s19+$0x0], $0xffff;
	[tilespmem:s8+$0x180] =	vst v22;
	v4 =	vor.u32 v4, v1;
	v1 =	vshll.u32 v10, $0x3  }
0x178: {  	s12 =	sadd.s32 $0x30, s26;
	v19 =	vld.idx.msk [tilespmem:v19+s19+$0x0], $0xffff;
	v3 =	vand.u32 $0x7F, v10;
	[tilespmem:s8+$0x100] =	vst v20;
	v10 =	vor.u32 $0x200, v4;
	v1 =	vand.u32 $0xFFFFFC00, v1  }
0x179: {  	s30 =	sor.u32 $0x200, s12;
	v25 =	vld.idx.msk [tilespmem:v25+s19+$0x0], $0xffff;
	[tilespmem:s11+$0x80] =	vst v11;
	v34 =	vor.u32 v3, v1  }
0x17a: {  	s22 =	sor.u32 $0x280, s12;
	[tilespmem:s30+$0xC400] =	vst v9;
	v3 =	vld [tilespmem:s7+$0x0];
	v5 =	vor.u32 $0x280, v34  }
0x17b: {  	[tilespmem:s22+$0xC400] =	vst v13;
	v1 =	vshll.u32 v30, $0x3;
	v13 =	vor.u32 $0x200, v34;
	v26 =	vld.idx.msk [tilespmem:v8+s19+$0x0], $0xffff  }
0x17c: {  	s4 =	sor.u32 s4, s14;
	[tilespmem:s11+$0x180] =	vst v27;
	v8 =	vand.u32 $0x7F, v30;
	v1 =	vand.u32 $0xFFFFFC00, v1;
	v20 =	vor.u32 $0x100, v34;
	v2 =	vld.idx.msk [tilespmem:v4+s19+$0x0], $0xffff  }
0x17d: {  	s23 =	sor.u32 $0x200, s26;
	s25 =	sor.u32 $0x300, s26;
	[tilespmem:s4+$0x100] =	vst v19;
	v19 =	vor.u32 $0x80, v4;
	v9 =	vor.u32 v8, v1;
	v1 =	vld.idx.msk [tilespmem:v10+s19+$0x0], $0xffff  }
0x17e: {  	s24 =	sor.u32 $0x280, s26;
	[tilespmem:s8+$0x80] =	vst v18;
	s11 =	sadd.s32 $0x20, s26;
	s26 =	sadd.s32 $0x10, s26;
	v30 =	vor.u32 $0x300, v4;
	v17 =	vld.idx.msk [tilespmem:v34+s19+$0x0], $0xffff  }
0x17f: {  	[tilespmem:s8+$0x0] =	vst v7;
	s13 =	sor.u32 $0x200, s26;
	v27 =	vor.u32 $0x380, v34;
	v8 =	vld.idx.msk [tilespmem:v5+s19+$0x0], $0xffff  }
0x180: {  	[tilespmem:s13+$0xC400] =	vst v6;
	v11 =	vld.idx.msk [tilespmem:v13+s19+$0x0], $0xffff  }
0x181: {  	[tilespmem:s4+$0x80] =	vst v25;
	v25 =	vor.u32 $0x380, v9;
	v22 =	vld.idx.msk [tilespmem:v20+s19+$0x0], $0xffff  }
0x182: {  	[tilespmem:s4+$0x0] =	vst v31;
	v13 =	vor.u32 $0x100, v4;
	v5 =	vld.idx.msk [tilespmem:v19+s19+$0x0], $0xffff  }
0x183: {  	v18 =	vshll.u32 v3, $0x3;
	[tilespmem:s4+$0x180] =	vst v26;
	v20 =	vor.u32 $0x180, v4;
	v19 =	vand.u32 $0x7F, v3;
	v3 =	vld.idx.msk [tilespmem:v30+s19+$0x0], $0xffff  }
0x184: {  	v26 =	vor.u32 $0x300, v34;
	v18 =	vand.u32 $0xFFFFFC00, v18;
	v6 =	vld.idx.msk [tilespmem:v27+s19+$0x0], $0xffff;
	[tilespmem:s23+$0xC400] =	vst v21  }
0x185: {  	v30 =	vor.u32 $0x80, v9;
	v10 =	vld.idx.msk [tilespmem:v9+s19+$0x0], $0xffff;
	[tilespmem:s24+$0xC400] =	vst v23;
	v23 =	vor.u32 v19, v18  }
0x186: {  	s30 =	sor.u32 $0x200, s11;
	v21 =	vld.idx.msk [tilespmem:v25+s19+$0x0], $0xffff;
	[tilespmem:s25+$0xC400] =	vst v24;
	v24 =	vor.u32 $0x380, v23  }
0x187: {  	s14 =	sor.u32 $0x280, s11;
	[tilespmem:s30+$0xC400] =	vst v29;
	v25 =	vor.u32 $0x200, v23;
	v13 =	vld.idx.msk [tilespmem:v13+s19+$0x0], $0xffff  }
0x188: {  	[tilespmem:s14+$0xC400] =	vst v28;
	v28 =	vor.u32 $0x100, v23;
	v19 =	vld.idx.msk [tilespmem:v20+s19+$0x0], $0xffff  }
0x189: {  	s22 =	sor.u32 $0x300, s12;
	v20 =	vor.u32 $0x280, v23;
	v7 =	vld.idx.msk [tilespmem:v26+s19+$0x0], $0xffff  }
0x18a: {  	s12 =	sor.u32 $0x380, s12;
	[tilespmem:s22+$0xC400] =	vst v14;
	v26 =	vor.u32 $0x300, v23;
	v18 =	vld.idx.msk [tilespmem:v30+s19+$0x0], $0xffff  }
0x18b: {  	s28 =	simm.s32 $0x80;
	s15 =	sor.u32 $0x280, s26;
	[tilespmem:s12+$0xC400] =	vst v16;
	v31 =	vor.u32 $0x80, v23;
	v27 =	vld.idx.msk [tilespmem:v24+s19+$0x0], $0xffff  }
0x18c: {  	p6 =	por !p5, !p5;
	s3 =	sor.u32 s3, s3;
	[tilespmem:s15+$0xC400] =	vst v35;
	v29 =	vor.u32 $0x80, v34;
	s24 =	sor.u32 $0x300, s26;
	v14 =	vld.idx.msk [tilespmem:v25+s19+$0x0], $0xffff  }
0x18d: {  	p2 =	por p6, p6;
	p3 =	por !p6, !p6;
	s23 =	sor.u32 $0x380, s3;
	[tilespmem:s24+$0xC400] =	vst v12;
	v30 =	vor.u32 $0x180, v34;
	v24 =	vld.idx.msk [tilespmem:v28+s19+$0x0], $0xffff  }
0x18e: {  	s8 =	simm.s32 $0x4;
	s3 =	simm.s32 $0x200;
	s25 =	sor.u32 $0x380, s26;
	[tilespmem:s23+$0xC400] =	vst v15;
	v15 =	vld.idx.msk [tilespmem:v20+s19+$0x0], $0xffff  }
0x18f: {  	s4 =	sor.u32 $0x380, s11;
	s30 =	sand.u32 $0x1C00, s3;
	s26 =	sor.u32 $0x300, s11;
	[tilespmem:s25+$0xC400] =	vst v33;
	v16 =	vld.idx.msk [tilespmem:v26+s19+$0x0], $0xffff  }
0x190: {  	v12 =	vor.u32 $0x280, v4;
	s11 =	sadd.s32 $0xC400, s30;
	s23 =	simm.s32 $0x80;
	s25 =	simm.s32 $0x400;
	[tilespmem:s26+$0xC400] =	vst v63;
	v20 =	vor.u32 $0x180, v23;
	v26 =	vld.idx.msk [tilespmem:v31+s19+$0x0], $0xffff  }
.LBB2_7:
0x191: {  	s14 =	sand.u32 $0x40, s28;
	s8 =	sadd.s32 $0x4, s8;
	v28 =	vld.idx.msk [tilespmem:v29+s19+$0x0], $0xffff;
	s22 =	sor.u32 s1, s11;
	[tilespmem:s4+$0xC400] =	vst v0;
	v0 =	vmov v21;
	v25 =	vmov v27  }
0x192: {  	s4 =	sand.u32 $0x380, s28;
	v21 =	vor.u32 $0x100, v9;
	s15 =	sor.u32 $0x10, s14;
	s24 =	sor.u32 $0x20, s14;
	v27 =	vld.idx.msk [tilespmem:v30+s19+$0x0], $0xffff  }
0x193: {  	v29 =	vor.u32 $0x180, v9;
	s1 =	sor.u32 $0x30, s14;
	s12 =	sor.u32 s15, s4;
	s13 =	sor.u32 s24, s4;
	v23 =	vld.idx.msk [tilespmem:v23+s19+$0x0], $0xffff;
	[tilespmem:s22+$0x100] =	vst v22  }
0x194: {  	p4 =	slt.u32 s8, $0x3C;
	v30 =	vor.u32 $0x200, v9;
	s4 =	sor.u32 s1, s4;
	v22 =	vld [tilespmem:s12+$0x0];
	s12 =	simm.s32 $0x1  }
0x195: {  	v32 =	vor.u32 $0x280, v9;
	v31 =	vld [tilespmem:s13+$0x0];
	s12 =	simm.s32 @!p2 $0x0;
	[tilespmem:s22+$0x0] =	vst v17;
	p2 =	por p3, p3  }
0x196: {  	v9 =	vor.u32 $0x300, v9;
	v17 =	vld [tilespmem:s4+$0x0];
	s4 =	sshll.u32 s12, $0x6  }
0x197: {  	v33 =	vor.u32 $0x380, v4;
	s13 =	sadd.s32 s4, s3;
	v21 =	vld.idx.msk [tilespmem:v21+s19+$0x0], $0xffff  }
0x198: {  	s30 =	sadd.s32 $0x10, s13;
	v34 =	vld.idx.msk [tilespmem:v29+s19+$0x0], $0xffff;
	s4 =	sadd.s32 $0x20, s13;
	[tilespmem:s22+$0x180] =	vst v27;
	s12 =	sadd.s32 $0x30, s13  }
0x199: {  	v4 =	vshll.u32 v22, $0x3;
	v27 =	vld.idx.msk [tilespmem:v30+s19+$0x0], $0xffff;
	[tilespmem:s22+$0x80] =	vst v28;
	s22 =	sor.u32 $0x200, s12  }
0x19a: {  	v22 =	vand.u32 $0x7F, v22;
	v4 =	vand.u32 $0xFFFFFC00, v4;
	v29 =	vshll.u32 v31, $0x3;
	v32 =	vld.idx.msk [tilespmem:v32+s19+$0x0], $0xffff;
	[tilespmem:s22+$0xC400] =	vst v11;
	s22 =	sor.u32 $0x280, s12  }
0x19b: {  	s26 =	sor.u32 s0, s11;
	s0 =	smov.u32 s24;
	v4 =	vor.u32 v22, v4;
	v11 =	vand.u32 $0x7F, v17;
	v17 =	vshll.u32 v17, $0x3;
	v28 =	vld.idx.msk [tilespmem:v9+s19+$0x0], $0xffff;
	[tilespmem:s22+$0xC400] =	vst v8  }
0x19c: {  	v9 =	vand.u32 $0x7F, v31;
	v8 =	vor.u32 $0x200, v4;
	v17 =	vand.u32 $0xFFFFFC00, v17;
	v31 =	vld.idx.msk [tilespmem:v33+s19+$0x0], $0xffff;
	[tilespmem:s26+$0x0] =	vst v10  }
0x19d: {  	s22 =	sor.u32 s31, s11;
	s31 =	smov.u32 s15;
	v33 =	vor.u32 $0x80, v4;
	v10 =	vand.u32 $0xFFFFFC00, v29;
	v35 =	vor.u32 v11, v17;
	v36 =	vld.idx.msk [tilespmem:v12+s19+$0x0], $0xffff;
	[tilespmem:s26+$0x100] =	vst v21  }
0x19e: {  	v12 =	vor.u32 $0x280, v4;
	v11 =	vld [tilespmem:s23+$0x0];
	v29 =	vor.u32 $0x80, v35;
	v21 =	vor.u32 $0x280, v35;
	[tilespmem:s22+$0x180] =	vst v19  }
0x19f: {  	s11 =	sor.u32 s21, s11;
	s21 =	smov.u32 s14;
	v9 =	vor.u32 v9, v10;
	v10 =	vor.u32 $0x100, v35;
	v19 =	vor.u32 $0x200, v35;
	v20 =	vld.idx.msk [tilespmem:v20+s19+$0x0], $0xffff;
	[tilespmem:s22+$0x100] =	vst v13  }
0x1a0: {  	v30 =	vor.u32 $0x180, v35;
	v13 =	vor.u32 $0x380, v9;
	v37 =	vld.idx.msk [tilespmem:v4+s19+$0x0], $0xffff;
	[tilespmem:s11+$0x0] =	vst v23  }
0x1a1: {  	v38 =	vor.u32 $0x100, v4;
	v39 =	vld.idx.msk [tilespmem:v8+s19+$0x0], $0xffff;
	[tilespmem:s11+$0x100] =	vst v24  }
0x1a2: {  	v40 =	vor.u32 $0x300, v4;
	v24 =	vor.u32 $0x180, v4;
	v17 =	vld.idx.msk [tilespmem:v35+s19+$0x0], $0xffff;
	[tilespmem:s26+$0x80] =	vst v18  }
0x1a3: {  	v41 =	vor.u32 $0x80, v9;
	v18 =	vshll.u32 v11, $0x3;
	v8 =	vld.idx.msk [tilespmem:v21+s19+$0x0], $0xffff;
	[tilespmem:s11+$0x80] =	vst v26  }
0x1a4: {  	v21 =	vand.u32 $0x7F, v11;
	v18 =	vand.u32 $0xFFFFFC00, v18;
	v11 =	vld.idx.msk [tilespmem:v19+s19+$0x0], $0xffff;
	[tilespmem:s26+$0x180] =	vst v34  }
0x1a5: {  	v26 =	vor.u32 $0x380, v35;
	v23 =	vor.u32 v21, v18;
	v22 =	vld.idx.msk [tilespmem:v10+s19+$0x0], $0xffff;
	v18 =	vor.u32 $0x300, v35;
	[tilespmem:s11+$0x180] =	vst v20  }
0x1a6: {  	s11 =	sor.u32 $0x200, s13;
	v34 =	vor.u32 $0x80, v23;
	v20 =	vor.u32 $0x180, v23;
	v35 =	vor.u32 $0x380, v23;
	v10 =	vld.idx.msk [tilespmem:v9+s19+$0x0], $0xffff;
	[tilespmem:s22+$0x80] =	vst v5  }
0x1a7: {  	v42 =	vor.u32 $0x100, v23;
	v43 =	vor.u32 $0x200, v23;
	v5 =	vld.idx.msk [tilespmem:v33+s19+$0x0], $0xffff;
	[tilespmem:s11+$0xC400] =	vst v14;
	s11 =	sor.u32 $0x280, s13  }
0x1a8: {  	v33 =	vld.idx.msk [tilespmem:v40+s19+$0x0], $0xffff;
	[tilespmem:s11+$0xC400] =	vst v15;
	s11 =	sor.u32 $0x300, s13  }
0x1a9: {  	v21 =	vld.idx.msk [tilespmem:v13+s19+$0x0], $0xffff;
	[tilespmem:s11+$0xC400] =	vst v16  }
0x1aa: {  	s11 =	sor.u32 $0x200, s4;
	v13 =	vld.idx.msk [tilespmem:v38+s19+$0x0], $0xffff;
	[tilespmem:s22+$0x0] =	vst v2;
	v2 =	vmov v37  }
0x1ab: {  	v15 =	vor.u32 $0x280, v23;
	s13 =	sor.u32 $0x200, s30;
	v19 =	vld.idx.msk [tilespmem:v24+s19+$0x0], $0xffff;
	[tilespmem:s11+$0xC400] =	vst v27  }
0x1ac: {  	v16 =	vor.u32 $0x300, v23;
	s11 =	sor.u32 $0x280, s4;
	v24 =	vld.idx.msk [tilespmem:v18+s19+$0x0], $0xffff;
	[tilespmem:s13+$0xC400] =	vst v1;
	v1 =	vmov v39  }
0x1ad: {  	s13 =	sor.u32 $0x280, s30;
	v26 =	vld.idx.msk [tilespmem:v26+s19+$0x0], $0xffff;
	[tilespmem:s11+$0xC400] =	vst v32  }
0x1ae: {  	s7 =	sor.u32 s3, s7;
	s3 =	smov.u32 s25;
	s11 =	sor.u32 $0x300, s12;
	v18 =	vld.idx.msk [tilespmem:v41+s19+$0x0], $0xffff;
	[tilespmem:s13+$0xC400] =	vst v36  }
0x1af: {  	s13 =	sor.u32 $0x380, s7;
	s7 =	smov.u32 s28;
	v27 =	vld.idx.msk [tilespmem:v35+s19+$0x0], $0xffff;
	[tilespmem:s11+$0xC400] =	vst v7  }
.Ltmp2:
0x1b0: {  	s11 =	sor.u32 $0x380, s12;
	v14 =	vld.idx.msk [tilespmem:v43+s19+$0x0], $0xffff;
	[tilespmem:s13+$0xC400] =	vst v25;
	(pc) =	sbr.rel @p4 .LBB2_7-.Ltmp2, $4  }
0x1b1: {  	s12 =	sor.u32 $0x300, s30;
	v15 =	vld.idx.msk [tilespmem:v15+s19+$0x0], $0xffff;
	[tilespmem:s11+$0xC400] =	vst v6  }
0x1b2: {  	s11 =	sor.u32 $0x380, s30;
	v7 =	vmov v24;
	v16 =	vld.idx.msk [tilespmem:v16+s19+$0x0], $0xffff;
	[tilespmem:s12+$0xC400] =	vst v3;
	s12 =	sor.u32 $0x300, s4;
	s4 =	sor.u32 $0x380, s4;
	v3 =	vmov v33  }
0x1b3: {  	p3 =	por !p3, !p3;
	s23 =	sadd.s32 $0x40, s23;
	s13 =	sand.u32 $0x1C00, s25;
	v6 =	vmov v26;
	v24 =	vld.idx.msk [tilespmem:v42+s19+$0x0], $0xffff;
	[tilespmem:s11+$0xC400] =	vst v31  }
0x1b4: {  	s28 =	sadd.s32 $0x40, s28;
	s25 =	sadd.s32 $0x200, s25;
	s11 =	sadd.s32 $0xC400, s13;
	v26 =	vld.idx.msk [tilespmem:v34+s19+$0x0], $0xffff;
	[tilespmem:s12+$0xC400] =	vst v28  }
0x1b5: {  	_ =	sdelay $0x2  }
0x1b6: {  	v25 =	vor.u32 $0x100, v9  }
0x1b7: {  	v28 =	vld.idx.msk [tilespmem:v30+s19+$0x0], $0xffff;
	v30 =	vor.u32 $0x180, v9  }
0x1b8: {  	v31 =	vor.u32 $0x200, v9  }
0x1b9: {  	v29 =	vld.idx.msk [tilespmem:v29+s19+$0x0], $0xffff;
	[tilespmem:s4+$0xC400] =	vst v0;
	v0 =	vor.u32 $0x280, v9  }
0x1ba: {  	s1 =	sor.u32 s1, s11;
	v23 =	vld.idx.msk [tilespmem:v23+s19+$0x0], $0xffff;
	v9 =	vor.u32 $0x300, v9  }
0x1bb: {  	[tilespmem:s1+$0x0] =	vst v17;
	v17 =	vld.idx.msk [tilespmem:v25+s19+$0x0], $0xffff  }
0x1bc: {  	[tilespmem:s1+$0x100] =	vst v22;
	v22 =	vld.idx.msk [tilespmem:v30+s19+$0x0], $0xffff  }
0x1bd: {  	[tilespmem:s1+$0x180] =	vst v28;
	v25 =	vld.idx.msk [tilespmem:v31+s19+$0x0], $0xffff  }
0x1be: {  	s8 =	simm.s32 $0x1;
	s0 =	sor.u32 s0, s11;
	[tilespmem:s1+$0x80] =	vst v29;
	v0 =	vld.idx.msk [tilespmem:v0+s19+$0x0], $0xffff  }
0x1bf: {  	s14 =	sor.u32 s21, s11;
	s8 =	simm.s32 @!p2 $0x0;
	v9 =	vld.idx.msk [tilespmem:v9+s19+$0x0], $0xffff;
	[tilespmem:s0+$0x0] =	vst v10  }
0x1c0: {  	v4 =	vor.u32 $0x380, v4;
	s26 =	sshll.u32 s8, $0x6;
	v10 =	vld.idx.msk [tilespmem:v20+s19+$0x0], $0xffff;
	[tilespmem:s14+$0x0] =	vst v23  }
0x1c1: {  	s4 =	sadd.s32 s26, s3;
	[tilespmem:s14+$0x100] =	vst v24  }
0x1c2: {  	s8 =	sadd.s32 $0x30, s4;
	[tilespmem:s0+$0x80] =	vst v18  }
0x1c3: {  	s30 =	sor.u32 $0x200, s8;
	[tilespmem:s14+$0x80] =	vst v26  }
0x1c4: {  	s12 =	sor.u32 $0x280, s8;
	[tilespmem:s30+$0xC400] =	vst v11  }
0x1c5: {  	s13 =	sor.u32 s31, s11;
	v4 =	vld.idx.msk [tilespmem:v4+s19+$0x0], $0xffff;
	[tilespmem:s12+$0xC400] =	vst v8  }
0x1c6: {  	v8 =	vld.idx.msk [tilespmem:v12+s19+$0x0], $0xffff;
	[tilespmem:s13+$0x180] =	vst v19  }
0x1c7: {  	[tilespmem:s13+$0x100] =	vst v13  }
0x1c8: {  	s15 =	sor.u32 $0x200, s4;
	s21 =	sor.u32 $0x280, s4;
	s24 =	sadd.s32 $0x10, s4;
	[tilespmem:s13+$0x80] =	vst v5  }
0x1c9: {  	s22 =	sor.u32 $0x300, s4;
	s23 =	sadd.s32 $0x20, s4;
	s4 =	sor.u32 $0x200, s24;
	[tilespmem:s13+$0x0] =	vst v2  }
0x1ca: {  	s12 =	sor.u32 $0x300, s8;
	[tilespmem:s4+$0xC400] =	vst v1  }
0x1cb: {  	s13 =	sor.u32 $0x380, s8;
	[tilespmem:s12+$0xC400] =	vst v7  }
0x1cc: {  	[tilespmem:s13+$0xC400] =	vst v6  }
0x1cd: {  	[tilespmem:s0+$0x100] =	vst v17  }
0x1ce: {  	[tilespmem:s0+$0x180] =	vst v22  }
0x1cf: {  	[tilespmem:s14+$0x180] =	vst v10  }
0x1d0: {  	s25 =	sor.u32 $0x200, s23;
	[tilespmem:s15+$0xC400] =	vst v14  }
0x1d1: {  	[tilespmem:s25+$0xC400] =	vst v25  }
0x1d2: {  	s26 =	sor.u32 $0x280, s23;
	[tilespmem:s21+$0xC400] =	vst v15  }
0x1d3: {  	s30 =	sor.u32 $0x280, s24;
	[tilespmem:s26+$0xC400] =	vst v0  }
0x1d4: {  	[tilespmem:s30+$0xC400] =	vst v8  }
0x1d5: {  	s7 =	sor.u32 s3, s7;
	s14 =	sor.u32 $0x300, s24;
	[tilespmem:s22+$0xC400] =	vst v16  }
0x1d6: {  	s1 =	sor.u32 $0x380, s7;
	[tilespmem:s14+$0xC400] =	vst v3  }
0x1d7: {  	s0 =	sor.u32 $0x380, s24;
	[tilespmem:s1+$0xC400] =	vst v27  }
0x1d8: {  	[tilespmem:s0+$0xC400] =	vst v4  }
0x1d9: {  	s0 =	rddreg [dreg:$0xb]  }
0x1da: {  	s15 =	sor.u32 $0x300, s23;
	s0 =	sadd.s32 @!p0 s10, s0  }
0x1db: {  	s21 =	sor.u32 $0x380, s23;
	[tilespmem:s15+$0xC400] =	vst v9;
	s0 =	sshll.u32 @!p0 s0, $0x7  }
0x1dc: {  	s3 =	simm.s32 @!p0 $0x4400;
	s1 =	simm.s32 @!p0 $0x0;
	[tilespmem:s21+$0xC400] =	vst v21;
	s0 =	sadd.s32 @!p0 s2, s0  }
0x1dd: {  	[tilespmem:s3], [sflag:$0x3] =	stream.linear.gather @!p0 [hbm4b:s0+s1], $0x2000, $0x38;
	[tilespmem:$0x10400] =	vst v63  }
0x1de: {  	s24 =	simm.s32 $0x4;
	s23 =	simm.s32 $0xC400;
	s22 =	sadd.s32 $0x800, s16  }
0x1df: {  	[hbm4b:s22+s5] =	stream.linear.scatter [tilespmem:s23], [sflag:$0x7], $0x2000, $0x38;
	[tilespmem:$0x10400] =	vst v63  }
0x1e0: {  	_ =	swait.ge [sflag:s24], $0x2000  }
0x1e1: {  	[sflag:s24] =	ssyncset.done $0x0  }
0x1e2: {  	s0 =	simm.s32 @!p1 $0x8;
	s1 =	simm.s32 $0x0;
	[sflag:s24] =	ssyncadd.s32 $0xFFFFE000  }
0x1e3: {  	s3 =	sand.u32 $0x40, s1;
	_ =	swait.ge @!p1 [sflag:s0], $0x2000  }
0x1e4: {  	s25 =	sand.u32 $0x380, s1;
	s4 =	sor.u32 $0x10, s3;
	[sflag:s0] =	ssyncset.done @!p1 $0x0  }
0x1e5: {  	s8 =	sor.u32 $0x20, s3;
	s26 =	sor.u32 s4, s25;
	[sflag:s0] =	ssyncadd.s32 @!p1 $0xFFFFE000  }
0x1e6: {  	s23 =	sor.u32 s8, s25;
	v0 =	vld [tilespmem:s26+$0x0]  }
0x1e7: {  	v3 =	vld [tilespmem:s23+$0x0];
	_ =	sdelay $0x3  }
0x1e8: {  	v2 =	vshll.u32 v0, $0x3  }
0x1e9: {  	s7 =	simm.s32 $0x40;
	s30 =	sor.u32 $0x30, s3;
	v0 =	vand.u32 $0x7F, v0;
	v5 =	vshll.u32 v3, $0x3;
	v2 =	vand.u32 $0xFFFFFC00, v2  }
0x1ea: {  	s16 =	sand.u32 $0x40, s7;
	s22 =	sor.u32 s30, s25;
	v3 =	vand.u32 $0x7F, v3;
	v5 =	vand.u32 $0xFFFFFC00, v5;
	v2 =	vor.u32 v0, v2  }
0x1eb: {  	s12 =	sand.u32 $0x380, s7;
	s21 =	sor.u32 $0x10, s16;
	v1 =	vld [tilespmem:s22+$0x0];
	v3 =	vor.u32 v3, v5  }
0x1ec: {  	s14 =	sor.u32 s21, s12;
	s0 =	sor.u32 $0x20, s16;
	v8 =	vld [tilespmem:s1+$0x0];
	v4 =	vor.u32 $0x200, v2  }
0x1ed: {  	s15 =	sor.u32 s0, s12;
	v29 =	vld [tilespmem:s14+$0x0];
	v14 =	vor.u32 $0x100, v2  }
0x1ee: {  	v31 =	vld [tilespmem:s15+$0x0];
	v15 =	vor.u32 $0x180, v2  }
0x1ef: {  	v26 =	vor.u32 $0x100, v3;
	v7 =	vld.idx.msk [tilespmem:v2+s20+$0x0], $0xffff  }
0x1f0: {  	v28 =	vor.u32 $0x180, v3;
	v17 =	vld.idx.msk [tilespmem:v3+s20+$0x0], $0xffff  }
0x1f1: {  	v0 =	vshll.u32 v1, $0x3;
	v30 =	vor.u32 $0x200, v3;
	v6 =	vld.idx.msk [tilespmem:v4+s20+$0x0], $0xffff  }
0x1f2: {  	v1 =	vand.u32 $0x7F, v1;
	v0 =	vand.u32 $0xFFFFFC00, v0;
	v4 =	vor.u32 $0x80, v2;
	v20 =	vld.idx.msk [tilespmem:v14+s20+$0x0], $0xffff  }
0x1f3: {  	v1 =	vor.u32 v1, v0;
	v22 =	vld.idx.msk [tilespmem:v15+s20+$0x0], $0xffff  }
0x1f4: {  	v0 =	vor.u32 $0x280, v1;
	v26 =	vld.idx.msk [tilespmem:v26+s20+$0x0], $0xffff  }
0x1f5: {  	v9 =	vor.u32 $0x200, v1;
	v28 =	vld.idx.msk [tilespmem:v28+s20+$0x0], $0xffff  }
0x1f6: {  	v12 =	vshll.u32 v8, $0x3;
	v10 =	vor.u32 $0x100, v1;
	v30 =	vld.idx.msk [tilespmem:v30+s20+$0x0], $0xffff  }
0x1f7: {  	v11 =	vor.u32 $0x300, v2;
	v18 =	vld.idx.msk [tilespmem:v4+s20+$0x0], $0xffff;
	v4 =	vand.u32 $0x7F, v8;
	v8 =	vand.u32 $0xFFFFFC00, v12  }
0x1f8: {  	v16 =	vor.u32 $0x300, v1;
	v5 =	vld.idx.msk [tilespmem:v1+s20+$0x0], $0xffff;
	v4 =	vor.u32 v4, v8  }
0x1f9: {  	v13 =	vld.idx.msk [tilespmem:v0+s20+$0x0], $0xffff;
	v8 =	vor.u32 $0x380, v4  }
0x1fa: {  	v19 =	vor.u32 $0x380, v1;
	v9 =	vld.idx.msk [tilespmem:v9+s20+$0x0], $0xffff  }
0x1fb: {  	v0 =	vor.u32 $0x380, v3;
	v10 =	vld.idx.msk [tilespmem:v10+s20+$0x0], $0xffff  }
0x1fc: {  	v12 =	vld.idx.msk [tilespmem:v11+s20+$0x0], $0xffff;
	v11 =	vor.u32 $0x80, v3  }
0x1fd: {  	v32 =	vor.u32 $0x280, v3;
	v14 =	vld.idx.msk [tilespmem:v16+s20+$0x0], $0xffff;
	v3 =	vor.u32 $0x300, v3  }
0x1fe: {  	v15 =	vld.idx.msk [tilespmem:v8+s20+$0x0], $0xffff;
	v8 =	vor.u32 $0x80, v1;
	v1 =	vor.u32 $0x180, v1  }
0x1ff: {  	v16 =	vld.idx.msk [tilespmem:v19+s20+$0x0], $0xffff  }
0x200: {  	v0 =	vld.idx.msk [tilespmem:v0+s20+$0x0], $0xffff  }
0x201: {  	v21 =	vor.u32 $0x200, v4;
	v11 =	vld.idx.msk [tilespmem:v11+s20+$0x0], $0xffff  }
0x202: {  	v63 =	vld.idx.msk [tilespmem:v3+s20+$0x0], $0xffff  }
0x203: {  	s24 =	sand.u32 $0x1C00, s1;
	v23 =	vor.u32 $0x280, v4;
	v1 =	vld.idx.msk [tilespmem:v1+s20+$0x0], $0xffff  }
0x204: {  	s13 =	sadd.s32 $0xE400, s24;
	v24 =	vor.u32 $0x300, v4;
	v8 =	vld.idx.msk [tilespmem:v8+s20+$0x0], $0xffff  }
0x205: {  	s31 =	sor.u32 $0x30, s16;
	s22 =	sor.u32 s30, s13;
	v27 =	vld.idx.msk [tilespmem:v4+s20+$0x0], $0xffff  }
0x206: {  	s25 =	sor.u32 s31, s12;
	v21 =	vld.idx.msk [tilespmem:v21+s20+$0x0], $0xffff;
	[tilespmem:s22+$0x0] =	vst v5;
	v5 =	vor.u32 $0x380, v2  }
0x207: {  	[tilespmem:s22+$0x100] =	vst v10;
	v10 =	vld [tilespmem:s25+$0x0];
	v2 =	vor.u32 $0x280, v2  }
0x208: {  	p5 =	por $0x0, $0x0;
	v19 =	vor.u32 $0x100, v4;
	v23 =	vld.idx.msk [tilespmem:v23+s20+$0x0], $0xffff;
	[tilespmem:s22+$0x180] =	vst v1  }
0x209: {  	p2 =	por p5, p5;
	s8 =	sor.u32 s8, s13;
	s14 =	simm.s32 $0x1;
	v25 =	vor.u32 $0x80, v4;
	v24 =	vld.idx.msk [tilespmem:v24+s20+$0x0], $0xffff;
	[tilespmem:s22+$0x80] =	vst v8  }
0x20a: {  	s14 =	simm.s32 @!p2 $0x0;
	v1 =	vshll.u32 v29, $0x3;
	v8 =	vor.u32 $0x180, v4;
	v4 =	vand.u32 $0x7F, v29;
	v29 =	vld.idx.msk [tilespmem:v32+s20+$0x0], $0xffff;
	[tilespmem:s8+$0x0] =	vst v17  }
0x20b: {  	s4 =	sor.u32 s4, s13;
	s26 =	sshll.u32 s14, $0x6;
	v33 =	vld.idx.msk [tilespmem:v5+s20+$0x0], $0xffff;
	[tilespmem:s8+$0x100] =	vst v26;
	v1 =	vand.u32 $0xFFFFFC00, v1  }
0x20c: {  	s30 =	sadd.s32 $0x0, s26;
	v35 =	vld.idx.msk [tilespmem:v2+s20+$0x0], $0xffff;
	[tilespmem:s4+$0x180] =	vst v22;
	v4 =	vor.u32 v4, v1;
	v1 =	vshll.u32 v10, $0x3  }
0x20d: {  	s11 =	sadd.s32 $0x30, s30;
	v19 =	vld.idx.msk [tilespmem:v19+s20+$0x0], $0xffff;
	v3 =	vand.u32 $0x7F, v10;
	[tilespmem:s4+$0x100] =	vst v20;
	v10 =	vor.u32 $0x200, v4;
	v1 =	vand.u32 $0xFFFFFC00, v1  }
0x20e: {  	s15 =	sor.u32 $0x200, s11;
	v25 =	vld.idx.msk [tilespmem:v25+s20+$0x0], $0xffff;
	[tilespmem:s8+$0x80] =	vst v11;
	v34 =	vor.u32 v3, v1  }
0x20f: {  	s22 =	sor.u32 $0x280, s11;
	[tilespmem:s15+$0xE400] =	vst v9;
	v3 =	vld [tilespmem:s7+$0x0];
	v5 =	vor.u32 $0x280, v34  }
0x210: {  	[tilespmem:s22+$0xE400] =	vst v13;
	v1 =	vshll.u32 v31, $0x3;
	v13 =	vor.u32 $0x200, v34;
	v26 =	vld.idx.msk [tilespmem:v8+s20+$0x0], $0xffff  }
0x211: {  	s3 =	sor.u32 s3, s13;
	[tilespmem:s8+$0x180] =	vst v28;
	v8 =	vand.u32 $0x7F, v31;
	v1 =	vand.u32 $0xFFFFFC00, v1;
	v20 =	vor.u32 $0x100, v34;
	v2 =	vld.idx.msk [tilespmem:v4+s20+$0x0], $0xffff  }
0x212: {  	[tilespmem:s3+$0x100] =	vst v19;
	v19 =	vor.u32 $0x80, v4;
	v9 =	vor.u32 v8, v1;
	v1 =	vld.idx.msk [tilespmem:v10+s20+$0x0], $0xffff  }
0x213: {  	[tilespmem:s3+$0x0] =	vst v27;
	v27 =	vor.u32 $0x300, v4;
	v17 =	vld.idx.msk [tilespmem:v34+s20+$0x0], $0xffff  }
0x214: {  	[tilespmem:s4+$0x80] =	vst v18;
	v28 =	vor.u32 $0x380, v34;
	v8 =	vld.idx.msk [tilespmem:v5+s20+$0x0], $0xffff  }
0x215: {  	s23 =	sor.u32 $0x200, s30;
	s24 =	sor.u32 $0x280, s30;
	s12 =	sadd.s32 $0x10, s30;
	[tilespmem:s4+$0x0] =	vst v7;
	v11 =	vld.idx.msk [tilespmem:v13+s20+$0x0], $0xffff  }
0x216: {  	s13 =	sadd.s32 $0x20, s30;
	s25 =	sor.u32 $0x300, s30;
	s30 =	sor.u32 $0x200, s12;
	[tilespmem:s3+$0x80] =	vst v25;
	v25 =	vor.u32 $0x380, v9;
	v22 =	vld.idx.msk [tilespmem:v20+s20+$0x0], $0xffff  }
0x217: {  	[tilespmem:s30+$0xE400] =	vst v6;
	v13 =	vor.u32 $0x100, v4;
	v5 =	vld.idx.msk [tilespmem:v19+s20+$0x0], $0xffff  }
0x218: {  	v18 =	vshll.u32 v3, $0x3;
	[tilespmem:s3+$0x180] =	vst v26;
	v20 =	vor.u32 $0x180, v4;
	v19 =	vand.u32 $0x7F, v3;
	v3 =	vld.idx.msk [tilespmem:v27+s20+$0x0], $0xffff  }
0x219: {  	v26 =	vor.u32 $0x300, v34;
	v18 =	vand.u32 $0xFFFFFC00, v18;
	v6 =	vld.idx.msk [tilespmem:v28+s20+$0x0], $0xffff;
	[tilespmem:s23+$0xE400] =	vst v21  }
0x21a: {  	v27 =	vor.u32 $0x80, v9;
	v10 =	vld.idx.msk [tilespmem:v9+s20+$0x0], $0xffff;
	[tilespmem:s24+$0xE400] =	vst v23;
	v23 =	vor.u32 v19, v18  }
0x21b: {  	v21 =	vld.idx.msk [tilespmem:v25+s20+$0x0], $0xffff;
	[tilespmem:s25+$0xE400] =	vst v24;
	v24 =	vor.u32 $0x380, v23  }
0x21c: {  	s26 =	sor.u32 $0x200, s13;
	v25 =	vor.u32 $0x200, v23;
	v13 =	vld.idx.msk [tilespmem:v13+s20+$0x0], $0xffff  }
0x21d: {  	[tilespmem:s26+$0xE400] =	vst v30;
	s15 =	sor.u32 $0x300, s11;
	v28 =	vor.u32 $0x100, v23;
	v19 =	vld.idx.msk [tilespmem:v20+s20+$0x0], $0xffff  }
0x21e: {  	s4 =	sor.u32 $0x280, s13;
	[tilespmem:s15+$0xE400] =	vst v14;
	v20 =	vor.u32 $0x280, v23;
	v7 =	vld.idx.msk [tilespmem:v26+s20+$0x0], $0xffff  }
0x21f: {  	s8 =	sor.u32 $0x280, s12;
	[tilespmem:s4+$0xE400] =	vst v29;
	v26 =	vor.u32 $0x300, v23;
	v18 =	vld.idx.msk [tilespmem:v27+s20+$0x0], $0xffff  }
0x220: {  	s28 =	simm.s32 $0x80;
	p6 =	por !p5, !p5;
	s26 =	sor.u32 $0x300, s13;
	[tilespmem:s8+$0xE400] =	vst v35;
	v31 =	vor.u32 $0x80, v23;
	v27 =	vld.idx.msk [tilespmem:v24+s20+$0x0], $0xffff  }
0x221: {  	p1 =	por p6, p6;
	s14 =	sor.u32 s1, s1;
	v29 =	vor.u32 $0x80, v34;
	[tilespmem:s26+$0xE400] =	vst v63;
	s23 =	sor.u32 $0x380, s11;
	v14 =	vld.idx.msk [tilespmem:v25+s20+$0x0], $0xffff  }
0x222: {  	p2 =	por !p6, !p6;
	s1 =	sor.u32 $0x18, s10;
	s22 =	sor.u32 $0x380, s14;
	v30 =	vor.u32 $0x180, v34;
	[tilespmem:s23+$0xE400] =	vst v16;
	v24 =	vld.idx.msk [tilespmem:v28+s20+$0x0], $0xffff  }
0x223: {  	s8 =	simm.s32 $0x4;
	s3 =	simm.s32 $0x200;
	s24 =	sor.u32 $0x300, s12;
	[tilespmem:s22+$0xE400] =	vst v15;
	v15 =	vld.idx.msk [tilespmem:v20+s20+$0x0], $0xffff  }
0x224: {  	s4 =	sor.u32 $0x380, s13;
	s30 =	sand.u32 $0x1C00, s3;
	[tilespmem:s24+$0xE400] =	vst v12;
	s25 =	sor.u32 $0x380, s12;
	v16 =	vld.idx.msk [tilespmem:v26+s20+$0x0], $0xffff  }
0x225: {  	s23 =	simm.s32 $0x80;
	s11 =	sadd.s32 $0xE400, s30;
	v12 =	vor.u32 $0x280, v4;
	[tilespmem:s25+$0xE400] =	vst v33;
	s25 =	simm.s32 $0x400;
	v20 =	vor.u32 $0x180, v23;
	v26 =	vld.idx.msk [tilespmem:v31+s20+$0x0], $0xffff  }
.LBB2_9:
0x226: {  	s14 =	sand.u32 $0x40, s28;
	s8 =	sadd.s32 $0x4, s8;
	v28 =	vld.idx.msk [tilespmem:v29+s20+$0x0], $0xffff;
	s22 =	sor.u32 s31, s11;
	[tilespmem:s4+$0xE400] =	vst v0;
	v0 =	vmov v21;
	v25 =	vmov v27  }
0x227: {  	s4 =	sand.u32 $0x380, s28;
	v21 =	vor.u32 $0x100, v9;
	s15 =	sor.u32 $0x10, s14;
	s24 =	sor.u32 $0x20, s14;
	v27 =	vld.idx.msk [tilespmem:v30+s20+$0x0], $0xffff  }
0x228: {  	v29 =	vor.u32 $0x180, v9;
	s31 =	sor.u32 $0x30, s14;
	s12 =	sor.u32 s15, s4;
	s13 =	sor.u32 s24, s4;
	v23 =	vld.idx.msk [tilespmem:v23+s20+$0x0], $0xffff;
	[tilespmem:s22+$0x100] =	vst v22  }
0x229: {  	p3 =	slt.u32 s8, $0x3C;
	v30 =	vor.u32 $0x200, v9;
	s4 =	sor.u32 s31, s4;
	v22 =	vld [tilespmem:s12+$0x0];
	s12 =	simm.s32 $0x1  }
0x22a: {  	v32 =	vor.u32 $0x280, v9;
	v31 =	vld [tilespmem:s13+$0x0];
	s12 =	simm.s32 @!p1 $0x0;
	[tilespmem:s22+$0x0] =	vst v17;
	p1 =	por p2, p2  }
0x22b: {  	v9 =	vor.u32 $0x300, v9;
	v17 =	vld [tilespmem:s4+$0x0];
	s4 =	sshll.u32 s12, $0x6  }
0x22c: {  	v33 =	vor.u32 $0x380, v4;
	s13 =	sadd.s32 s4, s3;
	v21 =	vld.idx.msk [tilespmem:v21+s20+$0x0], $0xffff  }
0x22d: {  	s4 =	sadd.s32 $0x10, s13;
	v34 =	vld.idx.msk [tilespmem:v29+s20+$0x0], $0xffff;
	s30 =	sadd.s32 $0x20, s13;
	[tilespmem:s22+$0x180] =	vst v27;
	s12 =	sadd.s32 $0x30, s13  }
0x22e: {  	v4 =	vshll.u32 v22, $0x3;
	v27 =	vld.idx.msk [tilespmem:v30+s20+$0x0], $0xffff;
	[tilespmem:s22+$0x80] =	vst v28;
	s22 =	sor.u32 $0x200, s12  }
0x22f: {  	v22 =	vand.u32 $0x7F, v22;
	v4 =	vand.u32 $0xFFFFFC00, v4;
	v29 =	vshll.u32 v31, $0x3;
	v32 =	vld.idx.msk [tilespmem:v32+s20+$0x0], $0xffff;
	[tilespmem:s22+$0xE400] =	vst v11;
	s22 =	sor.u32 $0x280, s12  }
0x230: {  	s26 =	sor.u32 s0, s11;
	s0 =	smov.u32 s24;
	v4 =	vor.u32 v22, v4;
	v11 =	vand.u32 $0x7F, v17;
	v17 =	vshll.u32 v17, $0x3;
	v28 =	vld.idx.msk [tilespmem:v9+s20+$0x0], $0xffff;
	[tilespmem:s22+$0xE400] =	vst v8  }
0x231: {  	v9 =	vand.u32 $0x7F, v31;
	v8 =	vor.u32 $0x200, v4;
	v17 =	vand.u32 $0xFFFFFC00, v17;
	v31 =	vld.idx.msk [tilespmem:v33+s20+$0x0], $0xffff;
	[tilespmem:s26+$0x0] =	vst v10  }
0x232: {  	s22 =	sor.u32 s21, s11;
	s21 =	smov.u32 s15;
	v33 =	vor.u32 $0x80, v4;
	v10 =	vand.u32 $0xFFFFFC00, v29;
	v35 =	vor.u32 v11, v17;
	v36 =	vld.idx.msk [tilespmem:v12+s20+$0x0], $0xffff;
	[tilespmem:s26+$0x100] =	vst v21  }
0x233: {  	v12 =	vor.u32 $0x280, v4;
	v11 =	vld [tilespmem:s23+$0x0];
	v29 =	vor.u32 $0x80, v35;
	v21 =	vor.u32 $0x280, v35;
	[tilespmem:s22+$0x180] =	vst v19  }
0x234: {  	s11 =	sor.u32 s16, s11;
	s16 =	smov.u32 s14;
	v9 =	vor.u32 v9, v10;
	v10 =	vor.u32 $0x100, v35;
	v19 =	vor.u32 $0x200, v35;
	v20 =	vld.idx.msk [tilespmem:v20+s20+$0x0], $0xffff;
	[tilespmem:s22+$0x100] =	vst v13  }
0x235: {  	v30 =	vor.u32 $0x180, v35;
	v13 =	vor.u32 $0x380, v9;
	v37 =	vld.idx.msk [tilespmem:v4+s20+$0x0], $0xffff;
	[tilespmem:s11+$0x0] =	vst v23  }
0x236: {  	v38 =	vor.u32 $0x100, v4;
	v39 =	vld.idx.msk [tilespmem:v8+s20+$0x0], $0xffff;
	[tilespmem:s11+$0x100] =	vst v24  }
0x237: {  	v40 =	vor.u32 $0x300, v4;
	v24 =	vor.u32 $0x180, v4;
	v17 =	vld.idx.msk [tilespmem:v35+s20+$0x0], $0xffff;
	[tilespmem:s26+$0x80] =	vst v18  }
0x238: {  	v41 =	vor.u32 $0x80, v9;
	v18 =	vshll.u32 v11, $0x3;
	v8 =	vld.idx.msk [tilespmem:v21+s20+$0x0], $0xffff;
	[tilespmem:s11+$0x80] =	vst v26  }
0x239: {  	v21 =	vand.u32 $0x7F, v11;
	v18 =	vand.u32 $0xFFFFFC00, v18;
	v11 =	vld.idx.msk [tilespmem:v19+s20+$0x0], $0xffff;
	[tilespmem:s26+$0x180] =	vst v34  }
0x23a: {  	v26 =	vor.u32 $0x380, v35;
	v23 =	vor.u32 v21, v18;
	v22 =	vld.idx.msk [tilespmem:v10+s20+$0x0], $0xffff;
	v18 =	vor.u32 $0x300, v35;
	[tilespmem:s11+$0x180] =	vst v20  }
0x23b: {  	s11 =	sor.u32 $0x200, s13;
	v34 =	vor.u32 $0x80, v23;
	v20 =	vor.u32 $0x180, v23;
	v35 =	vor.u32 $0x380, v23;
	v10 =	vld.idx.msk [tilespmem:v9+s20+$0x0], $0xffff;
	[tilespmem:s22+$0x80] =	vst v5  }
0x23c: {  	v42 =	vor.u32 $0x100, v23;
	v43 =	vor.u32 $0x200, v23;
	v5 =	vld.idx.msk [tilespmem:v33+s20+$0x0], $0xffff;
	[tilespmem:s11+$0xE400] =	vst v14;
	s11 =	sor.u32 $0x280, s13  }
0x23d: {  	v33 =	vld.idx.msk [tilespmem:v40+s20+$0x0], $0xffff;
	[tilespmem:s11+$0xE400] =	vst v15;
	s11 =	sor.u32 $0x300, s13  }
0x23e: {  	v21 =	vld.idx.msk [tilespmem:v13+s20+$0x0], $0xffff;
	[tilespmem:s11+$0xE400] =	vst v16  }
0x23f: {  	s11 =	sor.u32 $0x200, s30;
	v13 =	vld.idx.msk [tilespmem:v38+s20+$0x0], $0xffff;
	[tilespmem:s22+$0x0] =	vst v2;
	v2 =	vmov v37  }
0x240: {  	v15 =	vor.u32 $0x280, v23;
	s13 =	sor.u32 $0x200, s4;
	v19 =	vld.idx.msk [tilespmem:v24+s20+$0x0], $0xffff;
	[tilespmem:s11+$0xE400] =	vst v27  }
0x241: {  	v16 =	vor.u32 $0x300, v23;
	s11 =	sor.u32 $0x280, s30;
	v24 =	vld.idx.msk [tilespmem:v18+s20+$0x0], $0xffff;
	[tilespmem:s13+$0xE400] =	vst v1;
	v1 =	vmov v39  }
0x242: {  	s13 =	sor.u32 $0x280, s4;
	v26 =	vld.idx.msk [tilespmem:v26+s20+$0x0], $0xffff;
	[tilespmem:s11+$0xE400] =	vst v32  }
0x243: {  	s7 =	sor.u32 s3, s7;
	s3 =	smov.u32 s25;
	s11 =	sor.u32 $0x300, s12;
	v18 =	vld.idx.msk [tilespmem:v41+s20+$0x0], $0xffff;
	[tilespmem:s13+$0xE400] =	vst v36  }
0x244: {  	s13 =	sor.u32 $0x380, s7;
	s7 =	smov.u32 s28;
	v27 =	vld.idx.msk [tilespmem:v35+s20+$0x0], $0xffff;
	[tilespmem:s11+$0xE400] =	vst v7  }
.Ltmp3:
0x245: {  	s11 =	sor.u32 $0x380, s12;
	v14 =	vld.idx.msk [tilespmem:v43+s20+$0x0], $0xffff;
	[tilespmem:s13+$0xE400] =	vst v25;
	(pc) =	sbr.rel @p3 .LBB2_9-.Ltmp3, $4  }
0x246: {  	s12 =	sor.u32 $0x300, s4;
	v15 =	vld.idx.msk [tilespmem:v15+s20+$0x0], $0xffff;
	[tilespmem:s11+$0xE400] =	vst v6  }
0x247: {  	s11 =	sor.u32 $0x380, s4;
	s4 =	sor.u32 $0x380, s30;
	v7 =	vmov v24;
	v16 =	vld.idx.msk [tilespmem:v16+s20+$0x0], $0xffff;
	[tilespmem:s12+$0xE400] =	vst v3;
	s12 =	sor.u32 $0x300, s30;
	v3 =	vmov v33  }
0x248: {  	p2 =	por !p2, !p2;
	s23 =	sadd.s32 $0x40, s23;
	s13 =	sand.u32 $0x1C00, s25;
	v6 =	vmov v26;
	v24 =	vld.idx.msk [tilespmem:v42+s20+$0x0], $0xffff;
	[tilespmem:s11+$0xE400] =	vst v31  }
0x249: {  	s28 =	sadd.s32 $0x40, s28;
	s25 =	sadd.s32 $0x200, s25;
	s11 =	sadd.s32 $0xE400, s13;
	v26 =	vld.idx.msk [tilespmem:v34+s20+$0x0], $0xffff;
	[tilespmem:s12+$0xE400] =	vst v28  }
0x24a: {  	_ =	sdelay $0x3  }
0x24b: {  	v25 =	vor.u32 $0x100, v9;
	v28 =	vld.idx.msk [tilespmem:v30+s20+$0x0], $0xffff  }
0x24c: {  	v55 =	vor.u32 $0x180, v9;
	v29 =	vld.idx.msk [tilespmem:v29+s20+$0x0], $0xffff  }
0x24d: {  	v31 =	vor.u32 $0x200, v9;
	s12 =	sor.u32 s31, s11;
	[tilespmem:s4+$0xE400] =	vst v0;
	v57 =	vld.idx.msk [tilespmem:v23+s20+$0x0], $0xffff  }
0x24e: {  	v56 =	vor.u32 $0x280, v9;
	v62 =	vld.idx.msk [tilespmem:v12+s20+$0x0], $0xffff;
	[tilespmem:s12+$0x100] =	vst v22  }
0x24f: {  	v58 =	vor.u32 $0x300, v9;
	v63 =	vld.idx.msk [tilespmem:v20+s20+$0x0], $0xffff;
	s25 =	sor.u32 s16, s11;
	[tilespmem:s12+$0x0] =	vst v17  }
0x250: {  	v4 =	vor.u32 $0x380, v4;
	[tilespmem:s25+$0x100] =	vst v24;
	v59 =	vld.idx.msk [tilespmem:v25+s20+$0x0], $0xffff  }
0x251: {  	[tilespmem:s25+$0x80] =	vst v26;
	v60 =	vld.idx.msk [tilespmem:v55+s20+$0x0], $0xffff  }
0x252: {  	[tilespmem:s12+$0x180] =	vst v28;
	v61 =	vld.idx.msk [tilespmem:v31+s20+$0x0], $0xffff  }
0x253: {  	s0 =	sor.u32 s0, s11;
	[tilespmem:s12+$0x80] =	vst v29;
	v0 =	vld.idx.msk [tilespmem:v56+s20+$0x0], $0xffff  }
0x254: {  	s24 =	sor.u32 s21, s11;
	v9 =	vld.idx.msk [tilespmem:v58+s20+$0x0], $0xffff;
	[tilespmem:s0+$0x0] =	vst v10  }
0x255: {  	v4 =	vld.idx.msk [tilespmem:v4+s20+$0x0], $0xffff;
	[tilespmem:s24+$0x180] =	vst v19  }
0x256: {  	s8 =	simm.s32 $0x1;
	[tilespmem:s24+$0x100] =	vst v13  }
0x257: {  	s8 =	simm.s32 @!p1 $0x0;
	[tilespmem:s25+$0x0] =	vst v57  }
0x258: {  	s15 =	sshll.u32 s8, $0x6;
	[tilespmem:s0+$0x80] =	vst v18  }
0x259: {  	s4 =	sadd.s32 s15, s3;
	[tilespmem:s25+$0x180] =	vst v63  }
0x25a: {  	s8 =	sadd.s32 $0x30, s4;
	[tilespmem:s24+$0x80] =	vst v5  }
0x25b: {  	s22 =	sor.u32 $0x200, s8;
	[tilespmem:s24+$0x0] =	vst v2  }
0x25c: {  	s26 =	sor.u32 $0x200, s4;
	s13 =	sadd.s32 $0x10, s4;
	[tilespmem:s22+$0xE400] =	vst v11  }
0x25d: {  	s15 =	sor.u32 $0x200, s13;
	[tilespmem:s26+$0xE400] =	vst v14  }
0x25e: {  	s23 =	sor.u32 $0x280, s8;
	[tilespmem:s15+$0xE400] =	vst v1  }
0x25f: {  	s28 =	sor.u32 $0x280, s4;
	[tilespmem:s23+$0xE400] =	vst v8  }
0x260: {  	s21 =	sor.u32 $0x280, s13;
	[tilespmem:s28+$0xE400] =	vst v15  }
0x261: {  	s30 =	sor.u32 $0x300, s4;
	[tilespmem:s21+$0xE400] =	vst v62  }
0x262: {  	s23 =	sor.u32 $0x300, s8;
	[tilespmem:s30+$0xE400] =	vst v16  }
0x263: {  	s25 =	sor.u32 $0x300, s13;
	s22 =	sor.u32 s3, s7;
	[tilespmem:s23+$0xE400] =	vst v7  }
0x264: {  	s3 =	sor.u32 $0x380, s22;
	[tilespmem:s25+$0xE400] =	vst v3  }
0x265: {  	s24 =	sor.u32 $0x380, s8;
	[tilespmem:s3+$0xE400] =	vst v27  }
0x266: {  	[tilespmem:s24+$0xE400] =	vst v6  }
0x267: {  	s31 =	sadd.s32 $0x20, s4;
	[tilespmem:s0+$0x100] =	vst v59  }
0x268: {  	s14 =	sor.u32 $0x200, s31;
	[tilespmem:s0+$0x180] =	vst v60  }
0x269: {  	s0 =	sor.u32 $0x380, s13;
	[tilespmem:s14+$0xE400] =	vst v61  }
0x26a: {  	s16 =	sor.u32 $0x280, s31;
	[tilespmem:s0+$0xE400] =	vst v4  }
0x26b: {  	[tilespmem:s16+$0xE400] =	vst v0  }
0x26c: {  	s0 =	rddreg [dreg:$0xc]  }
0x26d: {  	s26 =	sor.u32 $0x300, s31;
	s0 =	sadd.s32 @!p0 s10, s0  }
0x26e: {  	s9 =	sadd.s32 $0x1, s9;
	s28 =	sor.u32 $0x380, s31;
	[tilespmem:s26+$0xE400] =	vst v9;
	s0 =	sshll.u32 @!p0 s0, $0x7  }
0x26f: {  	s4 =	simm.s32 @!p0 $0x6400;
	s3 =	simm.s32 @!p0 $0x0;
	[tilespmem:s28+$0xE400] =	vst v21;
	s0 =	sadd.s32 @!p0 s2, s0  }
0x270: {  	[tilespmem:s4], [sflag:$0x4] =	stream.linear.gather @!p0 [hbm4b:s0+s3], $0x2000, $0x38;
	[tilespmem:$0x10400] =	vst v63  }
0x271: {  	p0 =	sne.s32 s9, $0x10  }
.Ltmp4:
0x272: {  	_ = 	snop;
	(pc) =	sbr.rel @p0 .LBB2_2-.Ltmp4, $4  }
0x273: {  	s30 =	sadd.s32 s6, s1  }
0x274: {  	s0 =	sshll.u32 s30, $0x7  }
0x275: {  	s31 =	simm.s32 $0xE400;
	s26 =	smov.u32 s29;
	s0 =	sadd.s32 s29, s0  }
0x276: {  	[hbm4b:s0+s5] =	stream.linear.scatter [tilespmem:s31], [sflag:$0x8], $0x2000, $0x38;
	[tilespmem:$0x10400] =	vst v63  }
0x277: {  	s0 =	simm.s32 $0x5  }
0x278: {  	_ =	swait.ge [sflag:s0], $0x2000  }
0x279: {  	[sflag:s0] =	ssyncset.done $0x0  }
0x27a: {  	s29 =	simm.s32 $0x6;
	[sflag:s0] =	ssyncadd.s32 $0xFFFFE000  }
0x27b: {  	_ =	swait.ge [sflag:s29], $0x2000  }
0x27c: {  	[sflag:s29] =	ssyncset.done $0x0  }
0x27d: {  	s30 =	simm.s32 $0x7;
	[sflag:s29] =	ssyncadd.s32 $0xFFFFE000  }
0x27e: {  	_ =	swait.ge [sflag:s30], $0x2000  }
0x27f: {  	[sflag:s30] =	ssyncset.done $0x0  }
0x280: {  	s1 =	simm.s32 $0x8;
	[sflag:s30] =	ssyncadd.s32 $0xFFFFE000  }
0x281: {  	_ =	swait.ge [sflag:s1], $0x2000  }
0x282: {  	s3 =	rddreg [dreg:$0xe]  }
0x283: {  	s31 =	rddreg [dreg:$0xd];
	s3 =	sadd.s32 $0x1, s3  }
0x284: {  	p0 =	sne.s32 s3, s31  }
.Ltmp5:
0x285: {  	_ = 	snop;
	(pc) =	sbr.rel @p0 .LBB2_1-.Ltmp5, $3  }
0x286: {  	_ =	sdelay $0x1  }
0x287: {  	[sflag:s1] =	ssyncset.done $0x0  }
0x288: {  	[sflag:s1] =	ssyncadd.s32 $0xFFFFE000  }
0x289: {  	_ =	sfence.sel $0x180000  }
0x28a: {  	[bflag:$0x0] =	sbarrier.arrive $0xFFFF  }
0x28b: {  	_ =	strace $0x90000047  }
0x28c: {  	s0 =	stileid.u32;
	[bflag:$0x2] =	sbarrier.arrive $0xFFFF  }
0x28d: {  	p0 =	sne.s32 s0, $0x0;
	s0 =	rddreg [dreg:$0x3]  }
0x28e: {  	s0 =	sadd.s32 @!p0 $0x100000, s0  }
0x28f: {  	[sflag:s0] =	ssyncadd.tile.s32 @!p0 $0x1;
	_ =	shalt  }
.Lfunc_end2:
_tile_overlayer_lowered:
.L_overlay_start_2:
0x290: {  	(tag) =	ssettag $0x2  }
0x291: {  	s0 =	rddreg [dreg:$0x0];
	s2 =	stileid.u32  }
0x292: {  	s1 =	rddreg [dreg:$0x1];
	p0 =	sne.s32 s2, $0x0  }
0x293: {  	s3 =	rddreg [dreg:$0x2];
	[bflag:$0x3] =	sbarrier.arrive $0xFFFF;
	s2 =	simm.s32 @!p0 $0x1C09  }
0x294: {  	[timem:s3], [sflag:s2] =	dma.local @!p0 [hbm:s0], s1  }
0x295: {  	s0 =	simm.s32 @!p0 $0x9  }
0x296: {  	_ =	swait.ge @!p0 [sflag:s0], s1  }
0x297: {  	s1 =	ssub.s32 @!p0 $0x0, s1;
	[sflag:s0] =	ssyncset.done @!p0 $0x0  }
0x298: {  	[sflag:s0] =	ssyncadd.s32 @!p0 s1  }
0x299: {  	[bflag:$0x3] =	sbarrier.arrive $0xFFFF  }
0x29a: {  	_ =	shalt  }

</sc_bundles>
